<compile_context>
chip_gen: v7x
topology: tpu7x:2x2x1
jax: 0.10.2.dev20260603
libtpu: 0.0.44.dev20260713+nightly
codegen_flags: <defaults>
</compile_context>

<pallas_src>
import jax
import jax.numpy as jnp
from jax.experimental import pallas as pl
from jax.experimental.pallas import tpu as pltpu

_NBUF = 4
_CBLK = 16


def _pool_body(x_hbm, q_ref, o_ref, *scratch):
    bufs = scratch[:_NBUF]
    sems = scratch[_NBUF:]
    nrows = x_hbm.shape[0]
    T = nrows // _CBLK

    def src(t):
        return x_hbm.at[pl.ds(t * _CBLK, _CBLK)]

    for s in range(_NBUF):
        pltpu.make_async_copy(src(s), bufs[s], sems[s]).start()

    def outer(g, carry):
        for s in range(_NBUF):
            t = g * _NBUF + s
            pltpu.make_async_copy(src(t), bufs[s], sems[s]).wait()
            xt = bufs[s][...]
            z = xt.sum(axis=2)
            acc = None
            for p in range(7):
                zp = z[:, :, p, :].reshape(_CBLK * 4, 128)
                r = jax.lax.dot_general(
                    zp, q_ref[p],
                    dimension_numbers=(((1,), (0,)), ((), ())),
                    precision=jax.lax.Precision.HIGHEST,
                    preferred_element_type=jnp.float32)
                acc = r if acc is None else acc + r
            o_ref[pl.ds(t * _CBLK * 4, _CBLK * 4), :] = acc

            nxt = t + _NBUF

            @pl.when(nxt < T)
            def _():
                pltpu.make_async_copy(src(nxt), bufs[s], sems[s]).start()
        return carry

    jax.lax.fori_loop(0, T // _NBUF, outer, 0)


def _head_body(g_ref, w1_ref, b1_ref, w2_ref, b2_ref, gates_ref, idx_ref):
    inv = jnp.float32(1.0 / 3136.0)
    gi = g_ref[...] * inv
    h = jax.lax.dot_general(
        gi, w1_ref[...],
        dimension_numbers=(((1,), (1,)), ((), ())),
        preferred_element_type=jnp.float32,
    ) + b1_ref[...]
    h = jnp.maximum(h, 0.0)
    logits = jax.lax.dot_general(
        h, w2_ref[...],
        dimension_numbers=(((1,), (1,)), ((), ())),
        preferred_element_type=jnp.float32,
    ) + b2_ref[...]
    B, E = logits.shape
    lane = jax.lax.broadcasted_iota(jnp.int32, (B, E), 1)
    big = jnp.int32(E)
    m1 = jnp.max(logits, axis=1, keepdims=True)
    i1 = jnp.min(jnp.where(logits == m1, lane, big), axis=1, keepdims=True)
    masked = jnp.where(lane == i1, jnp.float32(-3.0e38), logits)
    m2 = jnp.max(masked, axis=1, keepdims=True)
    i2 = jnp.min(jnp.where(masked == m2, lane, big), axis=1, keepdims=True)
    e2 = jnp.exp(m2 - m1)
    denom = 1.0 + e2
    g1 = 1.0 / denom
    g2 = e2 / denom
    gates_ref[...] = (jnp.where(lane == i1, g1, 0.0)
                      + jnp.where(lane == i2, g2, 0.0))
    lane8 = jax.lax.broadcasted_iota(jnp.int32, (B, 8), 1)
    idx_ref[...] = jnp.where(lane8 == 0, i1, jnp.where(lane8 == 1, i2, 0))


def kernel(x, W1, b1, W2, b2):
    B, C, H, W = x.shape
    n_experts, hidden = W2.shape
    xr = x.reshape(B * C, 4, 14, 7, 128)

    pp = jax.lax.broadcasted_iota(jnp.int32, (7, 128, 4), 0)
    ll = jax.lax.broadcasted_iota(jnp.int32, (7, 128, 4), 1)
    jj = jax.lax.broadcasted_iota(jnp.int32, (7, 128, 4), 2)
    q = ((((128 * pp + ll) % W) // (W // 4)) == jj).astype(jnp.float32)

    sums = pl.pallas_call(
        _pool_body,
        in_specs=[
            pl.BlockSpec(memory_space=pl.ANY),
            pl.BlockSpec((7, 128, 4), lambda: (0, 0, 0)),
        ],
        out_specs=pl.BlockSpec((B * C * 4, 4), lambda: (0, 0)),
        out_shape=jax.ShapeDtypeStruct((B * C * 4, 4), jnp.float32),
        scratch_shapes=(
            [pltpu.VMEM((_CBLK, 4, 14, 7, 128), jnp.float32)
             for _ in range(_NBUF)]
            + [pltpu.SemaphoreType.DMA for _ in range(_NBUF)]
        ),
    )(xr, q)

    gsum = sums.reshape(B, C * 16)

    gates, idx8 = pl.pallas_call(
        _head_body,
        in_specs=[
            pl.BlockSpec((B, C * 16), lambda: (0, 0)),
            pl.BlockSpec(W1.shape, lambda: (0, 0)),
            pl.BlockSpec((1, hidden), lambda: (0, 0)),
            pl.BlockSpec(W2.shape, lambda: (0, 0)),
            pl.BlockSpec((1, n_experts), lambda: (0, 0)),
        ],
        out_specs=[
            pl.BlockSpec((B, n_experts), lambda: (0, 0)),
            pl.BlockSpec((B, 8), lambda: (0, 0)),
        ],
        out_shape=[
            jax.ShapeDtypeStruct((B, n_experts), jnp.float32),
            jax.ShapeDtypeStruct((B, 8), jnp.int32),
        ],
    )(gsum, W1, b1.reshape(1, hidden), W2, b2.reshape(1, n_experts))

    return gates, idx8[:, :2]

# --- scband reference (transcript-rebuilt; emitter-appended) ---
"""Pipeline reference for scband-gate-86689619902654 (READ-ONLY COPY).

The authoritative reference and input builder live on the scoring server;
editing this copy changes nothing except your own understanding.
"""

import jax, jax.numpy as jnp
import numpy as np


def setup_inputs(seed: int = 0) -> dict:
    key = jax.random.key(seed)
    k1, k2, k3 = jax.random.split(key, 3)
    B, C, H, W = 16, 384, 224, 224
    hidden_dim, n_experts = 32, 16
    gate_input_dim = C * 16
    x = jax.random.normal(k1, (B, C, H, W), dtype=jnp.float32)
    W1 = jax.random.normal(k2, (hidden_dim, gate_input_dim), dtype=jnp.float32) * 0.02
    b1 = jnp.zeros((hidden_dim,), dtype=jnp.float32)
    W2 = jax.random.normal(k3, (n_experts, hidden_dim), dtype=jnp.float32) * 0.02
    b2 = jnp.zeros((n_experts,), dtype=jnp.float32)
    return {"x": x, "W1": W1, "b1": b1, "W2": W2, "b2": b2}


def reference(x, W1, b1, W2, b2):
    # eval mode: no gating noise, dropout is identity
    B, C, H, W = x.shape
    top_k = 2
    # AdaptiveAvgPool2d((4,4)) with evenly-divisible input -> block mean
    pooled = x.reshape(B, C, 4, H // 4, 4, W // 4).mean(axis=(3, 5))
    gate_input = pooled.reshape(B, -1)
    h = jax.nn.relu(gate_input @ W1.T + b1)
    gate_logits = h @ W2.T + b2
    top_k_logits, top_k_indices = jax.lax.top_k(gate_logits, top_k)
    top_k_gates = jax.nn.softmax(top_k_logits, axis=-1)
    gates = jnp.zeros_like(gate_logits).at[
        jnp.arange(B)[:, None], top_k_indices
    ].set(top_k_gates)
    return gates, top_k_indices

if __name__ == "__main__":
    import jax
    _d = setup_inputs()
    print(jax.jit(kernel)(*tuple(_d.values())))

</pallas_src>

<mosaic_0001>
module attributes {stable_mosaic.version = 14 : i64} {
  func.func @_pool_body(%arg0: memref<6144x4x14x7x128xf32, #tpu.memory_space<any>>, %arg1: memref<7x128x4xf32, #tpu.memory_space<vmem>>, %arg2: memref<24576x4xf32, #tpu.memory_space<vmem>>, %arg3: memref<16x4x14x7x128xf32, #tpu.memory_space<vmem>>, %arg4: memref<16x4x14x7x128xf32, #tpu.memory_space<vmem>>, %arg5: memref<16x4x14x7x128xf32, #tpu.memory_space<vmem>>, %arg6: memref<16x4x14x7x128xf32, #tpu.memory_space<vmem>>, %arg7: memref<!tpu.dma_semaphore, #tpu.memory_space<semaphore_mem>>, %arg8: memref<!tpu.dma_semaphore, #tpu.memory_space<semaphore_mem>>, %arg9: memref<!tpu.dma_semaphore, #tpu.memory_space<semaphore_mem>>, %arg10: memref<!tpu.dma_semaphore, #tpu.memory_space<semaphore_mem>>) attributes {dimension_semantics = [], scalar_prefetch = 0 : i64, scratch_operands = 8 : i64, tpu.core_type = #tpu.core_type<tc>} {
    %dma_start3A = arith.constant 0 : i32
    %dma_start3A_0 = arith.constant 0 : i32
    %dma_start3A_1 = arith.constant 0 : i32
    %dma_start3A_2 = arith.constant 0 : i32
    %dma_start3A_3 = arith.constant 0 : i32
    %dma_start3A_4 = tpu.memref_slice %arg0[%dma_start3A, %dma_start3A_0, %dma_start3A_1, %dma_start3A_2, %dma_start3A_3] : memref<6144x4x14x7x128xf32, #tpu.memory_space<any>> -> memref<16x4x14x7x128xf32, #tpu.memory_space<any>>
    tpu.enqueue_dma source(%dma_start3A_4 : memref<16x4x14x7x128xf32, #tpu.memory_space<any>>) target(%arg3 : memref<16x4x14x7x128xf32, #tpu.memory_space<vmem>>) target_semaphore(%arg7 : memref<!tpu.dma_semaphore, #tpu.memory_space<semaphore_mem>>)
    %dma_start3A_5 = arith.constant 16 : i32
    %dma_start3A_6 = arith.constant 0 : i32
    %dma_start3A_7 = arith.constant 0 : i32
    %dma_start3A_8 = arith.constant 0 : i32
    %dma_start3A_9 = arith.constant 0 : i32
    %dma_start3A_10 = tpu.memref_slice %arg0[%dma_start3A_5, %dma_start3A_6, %dma_start3A_7, %dma_start3A_8, %dma_start3A_9] : memref<6144x4x14x7x128xf32, #tpu.memory_space<any>> -> memref<16x4x14x7x128xf32, #tpu.memory_space<any>>
    tpu.enqueue_dma source(%dma_start3A_10 : memref<16x4x14x7x128xf32, #tpu.memory_space<any>>) target(%arg4 : memref<16x4x14x7x128xf32, #tpu.memory_space<vmem>>) target_semaphore(%arg8 : memref<!tpu.dma_semaphore, #tpu.memory_space<semaphore_mem>>)
    %dma_start3A_11 = arith.constant 32 : i32
    %dma_start3A_12 = arith.constant 0 : i32
    %dma_start3A_13 = arith.constant 0 : i32
    %dma_start3A_14 = arith.constant 0 : i32
    %dma_start3A_15 = arith.constant 0 : i32
    %dma_start3A_16 = tpu.memref_slice %arg0[%dma_start3A_11, %dma_start3A_12, %dma_start3A_13, %dma_start3A_14, %dma_start3A_15] : memref<6144x4x14x7x128xf32, #tpu.memory_space<any>> -> memref<16x4x14x7x128xf32, #tpu.memory_space<any>>
    tpu.enqueue_dma source(%dma_start3A_16 : memref<16x4x14x7x128xf32, #tpu.memory_space<any>>) target(%arg5 : memref<16x4x14x7x128xf32, #tpu.memory_space<vmem>>) target_semaphore(%arg9 : memref<!tpu.dma_semaphore, #tpu.memory_space<semaphore_mem>>)
    %dma_start3A_17 = arith.constant 48 : i32
    %dma_start3A_18 = arith.constant 0 : i32
    %dma_start3A_19 = arith.constant 0 : i32
    %dma_start3A_20 = arith.constant 0 : i32
    %dma_start3A_21 = arith.constant 0 : i32
    %dma_start3A_22 = tpu.memref_slice %arg0[%dma_start3A_17, %dma_start3A_18, %dma_start3A_19, %dma_start3A_20, %dma_start3A_21] : memref<6144x4x14x7x128xf32, #tpu.memory_space<any>> -> memref<16x4x14x7x128xf32, #tpu.memory_space<any>>
    tpu.enqueue_dma source(%dma_start3A_22 : memref<16x4x14x7x128xf32, #tpu.memory_space<any>>) target(%arg6 : memref<16x4x14x7x128xf32, #tpu.memory_space<vmem>>) target_semaphore(%arg10 : memref<!tpu.dma_semaphore, #tpu.memory_space<semaphore_mem>>)
    %scan3A = arith.constant 0 : i32
    %scan3A_23 = arith.constant 96 : i32
    %scan3A_24 = arith.addi %scan3A, %scan3A_23 : i32
    %scan3A_25 = arith.constant 1 : i32
    scf.for %scan3A_27 = %scan3A to %scan3A_24 step %scan3A_25  : i32 {
      %mul3A = arith.constant 4 : i32
      %mul3A_28 = arith.muli %scan3A_27, %mul3A : i32
      %add3A = arith.constant 0 : i32
      %add3A_29 = arith.addi %mul3A_28, %add3A : i32
      %mul3A_30 = arith.constant 16 : i32
      %mul3A_31 = arith.muli %add3A_29, %mul3A_30 : i32
      %dma_wait3A = arith.constant 0 : i32
      %dma_wait3A_32 = arith.constant 0 : i32
      %dma_wait3A_33 = arith.constant 0 : i32
      %dma_wait3A_34 = arith.constant 0 : i32
      %dma_wait3A_35 = tpu.memref_slice %arg0[%mul3A_31, %dma_wait3A, %dma_wait3A_32, %dma_wait3A_33, %dma_wait3A_34] : memref<6144x4x14x7x128xf32, #tpu.memory_space<any>> -> memref<16x4x14x7x128xf32, #tpu.memory_space<any>>
      tpu.wait_dma2 semaphore(%arg7 : memref<!tpu.dma_semaphore, #tpu.memory_space<semaphore_mem>>) src(%dma_wait3A_35 : memref<16x4x14x7x128xf32, #tpu.memory_space<any>>) dst(%arg3 : memref<16x4x14x7x128xf32, #tpu.memory_space<vmem>>)
      %get3A = arith.constant 0 : index
      %get3A_36 = arith.constant 0 : index
      %get3A_37 = arith.constant 0 : index
      %get3A_38 = arith.constant 0 : index
      %get3A_39 = arith.constant 0 : index
      %get3A_40 = vector.load %arg3[%get3A, %get3A_36, %get3A_37, %get3A_38, %get3A_39] : memref<16x4x14x7x128xf32, #tpu.memory_space<vmem>>, vector<16x4x14x7x128xf32>
      %reduce_sum3A = arith.constant dense<0.000000e+00> : vector<16x4x7x128xf32>
      %reduce_sum3A_41 = vector.multi_reduction <add>, %get3A_40, %reduce_sum3A [2] : vector<16x4x14x7x128xf32> to vector<16x4x7x128xf32>
      %slice3A = vector.extract_strided_slice %reduce_sum3A_41 {offsets = [0, 0, 0, 0], sizes = [16, 4, 1, 128], strides = [1, 1, 1, 1]} : vector<16x4x7x128xf32> to vector<16x4x1x128xf32>
      %squeeze3A = vector.shape_cast %slice3A : vector<16x4x1x128xf32> to vector<16x4x128xf32>
      %reshape3A = vector.shape_cast %squeeze3A : vector<16x4x128xf32> to vector<64x128xf32>
      %get3A_42 = arith.constant 0 : index
      %get3A_43 = arith.constant 0 : index
      %get3A_44 = arith.constant 0 : index
      %get3A_45 = vector.load %arg1[%get3A_42, %get3A_43, %get3A_44] : memref<7x128x4xf32, #tpu.memory_space<vmem>>, vector<1x128x4xf32>
      %get3A_46 = vector.shape_cast %get3A_45 : vector<1x128x4xf32> to vector<128x4xf32>
      %dot_general3A = arith.constant dense<0.000000e+00> : vector<64x4xf32>
      %dot_general3A_47 = tpu.matmul %reshape3A, %get3A_46, %dot_general3A {dimension_numbers = #tpu.dot_dimension_numbers<[1], [0], [0], [1], [0, 0, 1, 1], [], []>, precision = #tpu.contract_precision<fp32>, transpose_lhs_hint = false} : vector<64x128xf32>, vector<128x4xf32>, vector<64x4xf32> -> vector<64x4xf32>
      %slice3A_48 = vector.extract_strided_slice %reduce_sum3A_41 {offsets = [0, 0, 1, 0], sizes = [16, 4, 1, 128], strides = [1, 1, 1, 1]} : vector<16x4x7x128xf32> to vector<16x4x1x128xf32>
      %squeeze3A_49 = vector.shape_cast %slice3A_48 : vector<16x4x1x128xf32> to vector<16x4x128xf32>
      %reshape3A_50 = vector.shape_cast %squeeze3A_49 : vector<16x4x128xf32> to vector<64x128xf32>
      %get3A_51 = arith.constant 1 : index
      %get3A_52 = arith.constant 0 : index
      %get3A_53 = arith.constant 0 : index
      %get3A_54 = vector.load %arg1[%get3A_51, %get3A_52, %get3A_53] : memref<7x128x4xf32, #tpu.memory_space<vmem>>, vector<1x128x4xf32>
      %get3A_55 = vector.shape_cast %get3A_54 : vector<1x128x4xf32> to vector<128x4xf32>
      %dot_general3A_56 = arith.constant dense<0.000000e+00> : vector<64x4xf32>
      %dot_general3A_57 = tpu.matmul %reshape3A_50, %get3A_55, %dot_general3A_56 {dimension_numbers = #tpu.dot_dimension_numbers<[1], [0], [0], [1], [0, 0, 1, 1], [], []>, precision = #tpu.contract_precision<fp32>, transpose_lhs_hint = false} : vector<64x128xf32>, vector<128x4xf32>, vector<64x4xf32> -> vector<64x4xf32>
      %add3A_58 = arith.addf %dot_general3A_47, %dot_general3A_57 : vector<64x4xf32>
      %slice3A_59 = vector.extract_strided_slice %reduce_sum3A_41 {offsets = [0, 0, 2, 0], sizes = [16, 4, 1, 128], strides = [1, 1, 1, 1]} : vector<16x4x7x128xf32> to vector<16x4x1x128xf32>
      %squeeze3A_60 = vector.shape_cast %slice3A_59 : vector<16x4x1x128xf32> to vector<16x4x128xf32>
      %reshape3A_61 = vector.shape_cast %squeeze3A_60 : vector<16x4x128xf32> to vector<64x128xf32>
      %get3A_62 = arith.constant 2 : index
      %get3A_63 = arith.constant 0 : index
      %get3A_64 = arith.constant 0 : index
      %get3A_65 = vector.load %arg1[%get3A_62, %get3A_63, %get3A_64] : memref<7x128x4xf32, #tpu.memory_space<vmem>>, vector<1x128x4xf32>
      %get3A_66 = vector.shape_cast %get3A_65 : vector<1x128x4xf32> to vector<128x4xf32>
      %dot_general3A_67 = arith.constant dense<0.000000e+00> : vector<64x4xf32>
      %dot_general3A_68 = tpu.matmul %reshape3A_61, %get3A_66, %dot_general3A_67 {dimension_numbers = #tpu.dot_dimension_numbers<[1], [0], [0], [1], [0, 0, 1, 1], [], []>, precision = #tpu.contract_precision<fp32>, transpose_lhs_hint = false} : vector<64x128xf32>, vector<128x4xf32>, vector<64x4xf32> -> vector<64x4xf32>
      %add3A_69 = arith.addf %add3A_58, %dot_general3A_68 : vector<64x4xf32>
      %slice3A_70 = vector.extract_strided_slice %reduce_sum3A_41 {offsets = [0, 0, 3, 0], sizes = [16, 4, 1, 128], strides = [1, 1, 1, 1]} : vector<16x4x7x128xf32> to vector<16x4x1x128xf32>
      %squeeze3A_71 = vector.shape_cast %slice3A_70 : vector<16x4x1x128xf32> to vector<16x4x128xf32>
      %reshape3A_72 = vector.shape_cast %squeeze3A_71 : vector<16x4x128xf32> to vector<64x128xf32>
      %get3A_73 = arith.constant 3 : index
      %get3A_74 = arith.constant 0 : index
      %get3A_75 = arith.constant 0 : index
      %get3A_76 = vector.load %arg1[%get3A_73, %get3A_74, %get3A_75] : memref<7x128x4xf32, #tpu.memory_space<vmem>>, vector<1x128x4xf32>
      %get3A_77 = vector.shape_cast %get3A_76 : vector<1x128x4xf32> to vector<128x4xf32>
      %dot_general3A_78 = arith.constant dense<0.000000e+00> : vector<64x4xf32>
      %dot_general3A_79 = tpu.matmul %reshape3A_72, %get3A_77, %dot_general3A_78 {dimension_numbers = #tpu.dot_dimension_numbers<[1], [0], [0], [1], [0, 0, 1, 1], [], []>, precision = #tpu.contract_precision<fp32>, transpose_lhs_hint = false} : vector<64x128xf32>, vector<128x4xf32>, vector<64x4xf32> -> vector<64x4xf32>
      %add3A_80 = arith.addf %add3A_69, %dot_general3A_79 : vector<64x4xf32>
      %slice3A_81 = vector.extract_strided_slice %reduce_sum3A_41 {offsets = [0, 0, 4, 0], sizes = [16, 4, 1, 128], strides = [1, 1, 1, 1]} : vector<16x4x7x128xf32> to vector<16x4x1x128xf32>
      %squeeze3A_82 = vector.shape_cast %slice3A_81 : vector<16x4x1x128xf32> to vector<16x4x128xf32>
      %reshape3A_83 = vector.shape_cast %squeeze3A_82 : vector<16x4x128xf32> to vector<64x128xf32>
      %get3A_84 = arith.constant 4 : index
      %get3A_85 = arith.constant 0 : index
      %get3A_86 = arith.constant 0 : index
      %get3A_87 = vector.load %arg1[%get3A_84, %get3A_85, %get3A_86] : memref<7x128x4xf32, #tpu.memory_space<vmem>>, vector<1x128x4xf32>
      %get3A_88 = vector.shape_cast %get3A_87 : vector<1x128x4xf32> to vector<128x4xf32>
      %dot_general3A_89 = arith.constant dense<0.000000e+00> : vector<64x4xf32>
      %dot_general3A_90 = tpu.matmul %reshape3A_83, %get3A_88, %dot_general3A_89 {dimension_numbers = #tpu.dot_dimension_numbers<[1], [0], [0], [1], [0, 0, 1, 1], [], []>, precision = #tpu.contract_precision<fp32>, transpose_lhs_hint = false} : vector<64x128xf32>, vector<128x4xf32>, vector<64x4xf32> -> vector<64x4xf32>
      %add3A_91 = arith.addf %add3A_80, %dot_general3A_90 : vector<64x4xf32>
      %slice3A_92 = vector.extract_strided_slice %reduce_sum3A_41 {offsets = [0, 0, 5, 0], sizes = [16, 4, 1, 128], strides = [1, 1, 1, 1]} : vector<16x4x7x128xf32> to vector<16x4x1x128xf32>
      %squeeze3A_93 = vector.shape_cast %slice3A_92 : vector<16x4x1x128xf32> to vector<16x4x128xf32>
      %reshape3A_94 = vector.shape_cast %squeeze3A_93 : vector<16x4x128xf32> to vector<64x128xf32>
      %get3A_95 = arith.constant 5 : index
      %get3A_96 = arith.constant 0 : index
      %get3A_97 = arith.constant 0 : index
      %get3A_98 = vector.load %arg1[%get3A_95, %get3A_96, %get3A_97] : memref<7x128x4xf32, #tpu.memory_space<vmem>>, vector<1x128x4xf32>
      %get3A_99 = vector.shape_cast %get3A_98 : vector<1x128x4xf32> to vector<128x4xf32>
      %dot_general3A_100 = arith.constant dense<0.000000e+00> : vector<64x4xf32>
      %dot_general3A_101 = tpu.matmul %reshape3A_94, %get3A_99, %dot_general3A_100 {dimension_numbers = #tpu.dot_dimension_numbers<[1], [0], [0], [1], [0, 0, 1, 1], [], []>, precision = #tpu.contract_precision<fp32>, transpose_lhs_hint = false} : vector<64x128xf32>, vector<128x4xf32>, vector<64x4xf32> -> vector<64x4xf32>
      %add3A_102 = arith.addf %add3A_91, %dot_general3A_101 : vector<64x4xf32>
      %slice3A_103 = vector.extract_strided_slice %reduce_sum3A_41 {offsets = [0, 0, 6, 0], sizes = [16, 4, 1, 128], strides = [1, 1, 1, 1]} : vector<16x4x7x128xf32> to vector<16x4x1x128xf32>
      %squeeze3A_104 = vector.shape_cast %slice3A_103 : vector<16x4x1x128xf32> to vector<16x4x128xf32>
      %reshape3A_105 = vector.shape_cast %squeeze3A_104 : vector<16x4x128xf32> to vector<64x128xf32>
      %get3A_106 = arith.constant 6 : index
      %get3A_107 = arith.constant 0 : index
      %get3A_108 = arith.constant 0 : index
      %get3A_109 = vector.load %arg1[%get3A_106, %get3A_107, %get3A_108] : memref<7x128x4xf32, #tpu.memory_space<vmem>>, vector<1x128x4xf32>
      %get3A_110 = vector.shape_cast %get3A_109 : vector<1x128x4xf32> to vector<128x4xf32>
      %dot_general3A_111 = arith.constant dense<0.000000e+00> : vector<64x4xf32>
      %dot_general3A_112 = tpu.matmul %reshape3A_105, %get3A_110, %dot_general3A_111 {dimension_numbers = #tpu.dot_dimension_numbers<[1], [0], [0], [1], [0, 0, 1, 1], [], []>, precision = #tpu.contract_precision<fp32>, transpose_lhs_hint = false} : vector<64x128xf32>, vector<128x4xf32>, vector<64x4xf32> -> vector<64x4xf32>
      %add3A_113 = arith.addf %add3A_102, %dot_general3A_112 : vector<64x4xf32>
      %mul3A_114 = arith.constant 16 : i32
      %mul3A_115 = arith.muli %add3A_29, %mul3A_114 : i32
      %mul3A_116 = arith.constant 4 : i32
      %mul3A_117 = arith.muli %mul3A_115, %mul3A_116 : i32
      %swap3A = arith.index_cast %mul3A_117 : i32 to index
      %swap3A_118 = arith.constant 0 : index
      %swap3A_119 = vector.load %arg2[%swap3A, %swap3A_118] : memref<24576x4xf32, #tpu.memory_space<vmem>>, vector<64x4xf32>
      tpu.vector_store %arg2[%swap3A, %swap3A_118], %add3A_113 {strides = array<i32>} : memref<24576x4xf32, #tpu.memory_space<vmem>>, vector<64x4xf32>,
      %add3A_120 = arith.constant 4 : i32
      %add3A_121 = arith.addi %add3A_29, %add3A_120 : i32
      %lt3A = arith.constant 384 : i32
      %lt3A_122 = arith.cmpi slt, %add3A_121, %lt3A : i32
      %convert_element_type3A = arith.extui %lt3A_122 : i1 to i32
      %cond3A = arith.constant 0 : i32
      %cond3A_123 = arith.cmpi ne, %convert_element_type3A, %cond3A : i32
      scf.if %cond3A_123 {
        %mul3A_451 = arith.constant 16 : i32
        %mul3A_452 = arith.muli %add3A_121, %mul3A_451 : i32
        %dma_start3A_453 = arith.constant 0 : i32
        %dma_start3A_454 = arith.constant 0 : i32
        %dma_start3A_455 = arith.constant 0 : i32
        %dma_start3A_456 = arith.constant 0 : i32
        %dma_start3A_457 = tpu.memref_slice %arg0[%mul3A_452, %dma_start3A_453, %dma_start3A_454, %dma_start3A_455, %dma_start3A_456] : memref<6144x4x14x7x128xf32, #tpu.memory_space<any>> -> memref<16x4x14x7x128xf32, #tpu.memory_space<any>>
        tpu.enqueue_dma source(%dma_start3A_457 : memref<16x4x14x7x128xf32, #tpu.memory_space<any>>) target(%arg3 : memref<16x4x14x7x128xf32, #tpu.memory_space<vmem>>) target_semaphore(%arg7 : memref<!tpu.dma_semaphore, #tpu.memory_space<semaphore_mem>>)
      } else {
      }
      %mul3A_124 = arith.constant 4 : i32
      %mul3A_125 = arith.muli %scan3A_27, %mul3A_124 : i32
      %add3A_126 = arith.constant 1 : i32
      %add3A_127 = arith.addi %mul3A_125, %add3A_126 : i32
      %mul3A_128 = arith.constant 16 : i32
      %mul3A_129 = arith.muli %add3A_127, %mul3A_128 : i32
      %dma_wait3A_130 = arith.constant 0 : i32
      %dma_wait3A_131 = arith.constant 0 : i32
      %dma_wait3A_132 = arith.constant 0 : i32
      %dma_wait3A_133 = arith.constant 0 : i32
      %dma_wait3A_134 = tpu.memref_slice %arg0[%mul3A_129, %dma_wait3A_130, %dma_wait3A_131, %dma_wait3A_132, %dma_wait3A_133] : memref<6144x4x14x7x128xf32, #tpu.memory_space<any>> -> memref<16x4x14x7x128xf32, #tpu.memory_space<any>>
      tpu.wait_dma2 semaphore(%arg8 : memref<!tpu.dma_semaphore, #tpu.memory_space<semaphore_mem>>) src(%dma_wait3A_134 : memref<16x4x14x7x128xf32, #tpu.memory_space<any>>) dst(%arg4 : memref<16x4x14x7x128xf32, #tpu.memory_space<vmem>>)
      %get3A_135 = arith.constant 0 : index
      %get3A_136 = arith.constant 0 : index
      %get3A_137 = arith.constant 0 : index
      %get3A_138 = arith.constant 0 : index
      %get3A_139 = arith.constant 0 : index
      %get3A_140 = vector.load %arg4[%get3A_135, %get3A_136, %get3A_137, %get3A_138, %get3A_139] : memref<16x4x14x7x128xf32, #tpu.memory_space<vmem>>, vector<16x4x14x7x128xf32>
      %reduce_sum3A_141 = arith.constant dense<0.000000e+00> : vector<16x4x7x128xf32>
      %reduce_sum3A_142 = vector.multi_reduction <add>, %get3A_140, %reduce_sum3A_141 [2] : vector<16x4x14x7x128xf32> to vector<16x4x7x128xf32>
      %slice3A_143 = vector.extract_strided_slice %reduce_sum3A_142 {offsets = [0, 0, 0, 0], sizes = [16, 4, 1, 128], strides = [1, 1, 1, 1]} : vector<16x4x7x128xf32> to vector<16x4x1x128xf32>
      %squeeze3A_144 = vector.shape_cast %slice3A_143 : vector<16x4x1x128xf32> to vector<16x4x128xf32>
      %reshape3A_145 = vector.shape_cast %squeeze3A_144 : vector<16x4x128xf32> to vector<64x128xf32>
      %get3A_146 = arith.constant 0 : index
      %get3A_147 = arith.constant 0 : index
      %get3A_148 = arith.constant 0 : index
      %get3A_149 = vector.load %arg1[%get3A_146, %get3A_147, %get3A_148] : memref<7x128x4xf32, #tpu.memory_space<vmem>>, vector<1x128x4xf32>
      %get3A_150 = vector.shape_cast %get3A_149 : vector<1x128x4xf32> to vector<128x4xf32>
      %dot_general3A_151 = arith.constant dense<0.000000e+00> : vector<64x4xf32>
      %dot_general3A_152 = tpu.matmul %reshape3A_145, %get3A_150, %dot_general3A_151 {dimension_numbers = #tpu.dot_dimension_numbers<[1], [0], [0], [1], [0, 0, 1, 1], [], []>, precision = #tpu.contract_precision<fp32>, transpose_lhs_hint = false} : vector<64x128xf32>, vector<128x4xf32>, vector<64x4xf32> -> vector<64x4xf32>
      %slice3A_153 = vector.extract_strided_slice %reduce_sum3A_142 {offsets = [0, 0, 1, 0], sizes = [16, 4, 1, 128], strides = [1, 1, 1, 1]} : vector<16x4x7x128xf32> to vector<16x4x1x128xf32>
      %squeeze3A_154 = vector.shape_cast %slice3A_153 : vector<16x4x1x128xf32> to vector<16x4x128xf32>
      %reshape3A_155 = vector.shape_cast %squeeze3A_154 : vector<16x4x128xf32> to vector<64x128xf32>
      %get3A_156 = arith.constant 1 : index
      %get3A_157 = arith.constant 0 : index
      %get3A_158 = arith.constant 0 : index
      %get3A_159 = vector.load %arg1[%get3A_156, %get3A_157, %get3A_158] : memref<7x128x4xf32, #tpu.memory_space<vmem>>, vector<1x128x4xf32>
      %get3A_160 = vector.shape_cast %get3A_159 : vector<1x128x4xf32> to vector<128x4xf32>
      %dot_general3A_161 = arith.constant dense<0.000000e+00> : vector<64x4xf32>
      %dot_general3A_162 = tpu.matmul %reshape3A_155, %get3A_160, %dot_general3A_161 {dimension_numbers = #tpu.dot_dimension_numbers<[1], [0], [0], [1], [0, 0, 1, 1], [], []>, precision = #tpu.contract_precision<fp32>, transpose_lhs_hint = false} : vector<64x128xf32>, vector<128x4xf32>, vector<64x4xf32> -> vector<64x4xf32>
      %add3A_163 = arith.addf %dot_general3A_152, %dot_general3A_162 : vector<64x4xf32>
      %slice3A_164 = vector.extract_strided_slice %reduce_sum3A_142 {offsets = [0, 0, 2, 0], sizes = [16, 4, 1, 128], strides = [1, 1, 1, 1]} : vector<16x4x7x128xf32> to vector<16x4x1x128xf32>
      %squeeze3A_165 = vector.shape_cast %slice3A_164 : vector<16x4x1x128xf32> to vector<16x4x128xf32>
      %reshape3A_166 = vector.shape_cast %squeeze3A_165 : vector<16x4x128xf32> to vector<64x128xf32>
      %get3A_167 = arith.constant 2 : index
      %get3A_168 = arith.constant 0 : index
      %get3A_169 = arith.constant 0 : index
      %get3A_170 = vector.load %arg1[%get3A_167, %get3A_168, %get3A_169] : memref<7x128x4xf32, #tpu.memory_space<vmem>>, vector<1x128x4xf32>
      %get3A_171 = vector.shape_cast %get3A_170 : vector<1x128x4xf32> to vector<128x4xf32>
      %dot_general3A_172 = arith.constant dense<0.000000e+00> : vector<64x4xf32>
      %dot_general3A_173 = tpu.matmul %reshape3A_166, %get3A_171, %dot_general3A_172 {dimension_numbers = #tpu.dot_dimension_numbers<[1], [0], [0], [1], [0, 0, 1, 1], [], []>, precision = #tpu.contract_precision<fp32>, transpose_lhs_hint = false} : vector<64x128xf32>, vector<128x4xf32>, vector<64x4xf32> -> vector<64x4xf32>
      %add3A_174 = arith.addf %add3A_163, %dot_general3A_173 : vector<64x4xf32>
      %slice3A_175 = vector.extract_strided_slice %reduce_sum3A_142 {offsets = [0, 0, 3, 0], sizes = [16, 4, 1, 128], strides = [1, 1, 1, 1]} : vector<16x4x7x128xf32> to vector<16x4x1x128xf32>
      %squeeze3A_176 = vector.shape_cast %slice3A_175 : vector<16x4x1x128xf32> to vector<16x4x128xf32>
      %reshape3A_177 = vector.shape_cast %squeeze3A_176 : vector<16x4x128xf32> to vector<64x128xf32>
      %get3A_178 = arith.constant 3 : index
      %get3A_179 = arith.constant 0 : index
      %get3A_180 = arith.constant 0 : index
      %get3A_181 = vector.load %arg1[%get3A_178, %get3A_179, %get3A_180] : memref<7x128x4xf32, #tpu.memory_space<vmem>>, vector<1x128x4xf32>
      %get3A_182 = vector.shape_cast %get3A_181 : vector<1x128x4xf32> to vector<128x4xf32>
      %dot_general3A_183 = arith.constant dense<0.000000e+00> : vector<64x4xf32>
      %dot_general3A_184 = tpu.matmul %reshape3A_177, %get3A_182, %dot_general3A_183 {dimension_numbers = #tpu.dot_dimension_numbers<[1], [0], [0], [1], [0, 0, 1, 1], [], []>, precision = #tpu.contract_precision<fp32>, transpose_lhs_hint = false} : vector<64x128xf32>, vector<128x4xf32>, vector<64x4xf32> -> vector<64x4xf32>
      %add3A_185 = arith.addf %add3A_174, %dot_general3A_184 : vector<64x4xf32>
      %slice3A_186 = vector.extract_strided_slice %reduce_sum3A_142 {offsets = [0, 0, 4, 0], sizes = [16, 4, 1, 128], strides = [1, 1, 1, 1]} : vector<16x4x7x128xf32> to vector<16x4x1x128xf32>
      %squeeze3A_187 = vector.shape_cast %slice3A_186 : vector<16x4x1x128xf32> to vector<16x4x128xf32>
      %reshape3A_188 = vector.shape_cast %squeeze3A_187 : vector<16x4x128xf32> to vector<64x128xf32>
      %get3A_189 = arith.constant 4 : index
      %get3A_190 = arith.constant 0 : index
      %get3A_191 = arith.constant 0 : index
      %get3A_192 = vector.load %arg1[%get3A_189, %get3A_190, %get3A_191] : memref<7x128x4xf32, #tpu.memory_space<vmem>>, vector<1x128x4xf32>
      %get3A_193 = vector.shape_cast %get3A_192 : vector<1x128x4xf32> to vector<128x4xf32>
      %dot_general3A_194 = arith.constant dense<0.000000e+00> : vector<64x4xf32>
      %dot_general3A_195 = tpu.matmul %reshape3A_188, %get3A_193, %dot_general3A_194 {dimension_numbers = #tpu.dot_dimension_numbers<[1], [0], [0], [1], [0, 0, 1, 1], [], []>, precision = #tpu.contract_precision<fp32>, transpose_lhs_hint = false} : vector<64x128xf32>, vector<128x4xf32>, vector<64x4xf32> -> vector<64x4xf32>
      %add3A_196 = arith.addf %add3A_185, %dot_general3A_195 : vector<64x4xf32>
      %slice3A_197 = vector.extract_strided_slice %reduce_sum3A_142 {offsets = [0, 0, 5, 0], sizes = [16, 4, 1, 128], strides = [1, 1, 1, 1]} : vector<16x4x7x128xf32> to vector<16x4x1x128xf32>
      %squeeze3A_198 = vector.shape_cast %slice3A_197 : vector<16x4x1x128xf32> to vector<16x4x128xf32>
      %reshape3A_199 = vector.shape_cast %squeeze3A_198 : vector<16x4x128xf32> to vector<64x128xf32>
      %get3A_200 = arith.constant 5 : index
      %get3A_201 = arith.constant 0 : index
      %get3A_202 = arith.constant 0 : index
      %get3A_203 = vector.load %arg1[%get3A_200, %get3A_201, %get3A_202] : memref<7x128x4xf32, #tpu.memory_space<vmem>>, vector<1x128x4xf32>
      %get3A_204 = vector.shape_cast %get3A_203 : vector<1x128x4xf32> to vector<128x4xf32>
      %dot_general3A_205 = arith.constant dense<0.000000e+00> : vector<64x4xf32>
      %dot_general3A_206 = tpu.matmul %reshape3A_199, %get3A_204, %dot_general3A_205 {dimension_numbers = #tpu.dot_dimension_numbers<[1], [0], [0], [1], [0, 0, 1, 1], [], []>, precision = #tpu.contract_precision<fp32>, transpose_lhs_hint = false} : vector<64x128xf32>, vector<128x4xf32>, vector<64x4xf32> -> vector<64x4xf32>
      %add3A_207 = arith.addf %add3A_196, %dot_general3A_206 : vector<64x4xf32>
      %slice3A_208 = vector.extract_strided_slice %reduce_sum3A_142 {offsets = [0, 0, 6, 0], sizes = [16, 4, 1, 128], strides = [1, 1, 1, 1]} : vector<16x4x7x128xf32> to vector<16x4x1x128xf32>
      %squeeze3A_209 = vector.shape_cast %slice3A_208 : vector<16x4x1x128xf32> to vector<16x4x128xf32>
      %reshape3A_210 = vector.shape_cast %squeeze3A_209 : vector<16x4x128xf32> to vector<64x128xf32>
      %get3A_211 = arith.constant 6 : index
      %get3A_212 = arith.constant 0 : index
      %get3A_213 = arith.constant 0 : index
      %get3A_214 = vector.load %arg1[%get3A_211, %get3A_212, %get3A_213] : memref<7x128x4xf32, #tpu.memory_space<vmem>>, vector<1x128x4xf32>
      %get3A_215 = vector.shape_cast %get3A_214 : vector<1x128x4xf32> to vector<128x4xf32>
      %dot_general3A_216 = arith.constant dense<0.000000e+00> : vector<64x4xf32>
      %dot_general3A_217 = tpu.matmul %reshape3A_210, %get3A_215, %dot_general3A_216 {dimension_numbers = #tpu.dot_dimension_numbers<[1], [0], [0], [1], [0, 0, 1, 1], [], []>, precision = #tpu.contract_precision<fp32>, transpose_lhs_hint = false} : vector<64x128xf32>, vector<128x4xf32>, vector<64x4xf32> -> vector<64x4xf32>
      %add3A_218 = arith.addf %add3A_207, %dot_general3A_217 : vector<64x4xf32>
      %mul3A_219 = arith.constant 16 : i32
      %mul3A_220 = arith.muli %add3A_127, %mul3A_219 : i32
      %mul3A_221 = arith.constant 4 : i32
      %mul3A_222 = arith.muli %mul3A_220, %mul3A_221 : i32
      %swap3A_223 = arith.index_cast %mul3A_222 : i32 to index
      %swap3A_224 = arith.constant 0 : index
      %swap3A_225 = vector.load %arg2[%swap3A_223, %swap3A_224] : memref<24576x4xf32, #tpu.memory_space<vmem>>, vector<64x4xf32>
      tpu.vector_store %arg2[%swap3A_223, %swap3A_224], %add3A_218 {strides = array<i32>} : memref<24576x4xf32, #tpu.memory_space<vmem>>, vector<64x4xf32>,
      %add3A_226 = arith.constant 4 : i32
      %add3A_227 = arith.addi %add3A_127, %add3A_226 : i32
      %lt3A_228 = arith.constant 384 : i32
      %lt3A_229 = arith.cmpi slt, %add3A_227, %lt3A_228 : i32
      %convert_element_type3A_230 = arith.extui %lt3A_229 : i1 to i32
      %cond3A_231 = arith.constant 0 : i32
      %cond3A_232 = arith.cmpi ne, %convert_element_type3A_230, %cond3A_231 : i32
      scf.if %cond3A_232 {
        %mul3A_451 = arith.constant 16 : i32
        %mul3A_452 = arith.muli %add3A_227, %mul3A_451 : i32
        %dma_start3A_453 = arith.constant 0 : i32
        %dma_start3A_454 = arith.constant 0 : i32
        %dma_start3A_455 = arith.constant 0 : i32
        %dma_start3A_456 = arith.constant 0 : i32
        %dma_start3A_457 = tpu.memref_slice %arg0[%mul3A_452, %dma_start3A_453, %dma_start3A_454, %dma_start3A_455, %dma_start3A_456] : memref<6144x4x14x7x128xf32, #tpu.memory_space<any>> -> memref<16x4x14x7x128xf32, #tpu.memory_space<any>>
        tpu.enqueue_dma source(%dma_start3A_457 : memref<16x4x14x7x128xf32, #tpu.memory_space<any>>) target(%arg4 : memref<16x4x14x7x128xf32, #tpu.memory_space<vmem>>) target_semaphore(%arg8 : memref<!tpu.dma_semaphore, #tpu.memory_space<semaphore_mem>>)
      } else {
      }
      %mul3A_233 = arith.constant 4 : i32
      %mul3A_234 = arith.muli %scan3A_27, %mul3A_233 : i32
      %add3A_235 = arith.constant 2 : i32
      %add3A_236 = arith.addi %mul3A_234, %add3A_235 : i32
      %mul3A_237 = arith.constant 16 : i32
      %mul3A_238 = arith.muli %add3A_236, %mul3A_237 : i32
      %dma_wait3A_239 = arith.constant 0 : i32
      %dma_wait3A_240 = arith.constant 0 : i32
      %dma_wait3A_241 = arith.constant 0 : i32
      %dma_wait3A_242 = arith.constant 0 : i32
      %dma_wait3A_243 = tpu.memref_slice %arg0[%mul3A_238, %dma_wait3A_239, %dma_wait3A_240, %dma_wait3A_241, %dma_wait3A_242] : memref<6144x4x14x7x128xf32, #tpu.memory_space<any>> -> memref<16x4x14x7x128xf32, #tpu.memory_space<any>>
      tpu.wait_dma2 semaphore(%arg9 : memref<!tpu.dma_semaphore, #tpu.memory_space<semaphore_mem>>) src(%dma_wait3A_243 : memref<16x4x14x7x128xf32, #tpu.memory_space<any>>) dst(%arg5 : memref<16x4x14x7x128xf32, #tpu.memory_space<vmem>>)
      %get3A_244 = arith.constant 0 : index
      %get3A_245 = arith.constant 0 : index
      %get3A_246 = arith.constant 0 : index
      %get3A_247 = arith.constant 0 : index
      %get3A_248 = arith.constant 0 : index
      %get3A_249 = vector.load %arg5[%get3A_244, %get3A_245, %get3A_246, %get3A_247, %get3A_248] : memref<16x4x14x7x128xf32, #tpu.memory_space<vmem>>, vector<16x4x14x7x128xf32>
      %reduce_sum3A_250 = arith.constant dense<0.000000e+00> : vector<16x4x7x128xf32>
      %reduce_sum3A_251 = vector.multi_reduction <add>, %get3A_249, %reduce_sum3A_250 [2] : vector<16x4x14x7x128xf32> to vector<16x4x7x128xf32>
      %slice3A_252 = vector.extract_strided_slice %reduce_sum3A_251 {offsets = [0, 0, 0, 0], sizes = [16, 4, 1, 128], strides = [1, 1, 1, 1]} : vector<16x4x7x128xf32> to vector<16x4x1x128xf32>
      %squeeze3A_253 = vector.shape_cast %slice3A_252 : vector<16x4x1x128xf32> to vector<16x4x128xf32>
      %reshape3A_254 = vector.shape_cast %squeeze3A_253 : vector<16x4x128xf32> to vector<64x128xf32>
      %get3A_255 = arith.constant 0 : index
      %get3A_256 = arith.constant 0 : index
      %get3A_257 = arith.constant 0 : index
      %get3A_258 = vector.load %arg1[%get3A_255, %get3A_256, %get3A_257] : memref<7x128x4xf32, #tpu.memory_space<vmem>>, vector<1x128x4xf32>
      %get3A_259 = vector.shape_cast %get3A_258 : vector<1x128x4xf32> to vector<128x4xf32>
      %dot_general3A_260 = arith.constant dense<0.000000e+00> : vector<64x4xf32>
      %dot_general3A_261 = tpu.matmul %reshape3A_254, %get3A_259, %dot_general3A_260 {dimension_numbers = #tpu.dot_dimension_numbers<[1], [0], [0], [1], [0, 0, 1, 1], [], []>, precision = #tpu.contract_precision<fp32>, transpose_lhs_hint = false} : vector<64x128xf32>, vector<128x4xf32>, vector<64x4xf32> -> vector<64x4xf32>
      %slice3A_262 = vector.extract_strided_slice %reduce_sum3A_251 {offsets = [0, 0, 1, 0], sizes = [16, 4, 1, 128], strides = [1, 1, 1, 1]} : vector<16x4x7x128xf32> to vector<16x4x1x128xf32>
      %squeeze3A_263 = vector.shape_cast %slice3A_262 : vector<16x4x1x128xf32> to vector<16x4x128xf32>
      %reshape3A_264 = vector.shape_cast %squeeze3A_263 : vector<16x4x128xf32> to vector<64x128xf32>
      %get3A_265 = arith.constant 1 : index
      %get3A_266 = arith.constant 0 : index
      %get3A_267 = arith.constant 0 : index
      %get3A_268 = vector.load %arg1[%get3A_265, %get3A_266, %get3A_267] : memref<7x128x4xf32, #tpu.memory_space<vmem>>, vector<1x128x4xf32>
      %get3A_269 = vector.shape_cast %get3A_268 : vector<1x128x4xf32> to vector<128x4xf32>
      %dot_general3A_270 = arith.constant dense<0.000000e+00> : vector<64x4xf32>
      %dot_general3A_271 = tpu.matmul %reshape3A_264, %get3A_269, %dot_general3A_270 {dimension_numbers = #tpu.dot_dimension_numbers<[1], [0], [0], [1], [0, 0, 1, 1], [], []>, precision = #tpu.contract_precision<fp32>, transpose_lhs_hint = false} : vector<64x128xf32>, vector<128x4xf32>, vector<64x4xf32> -> vector<64x4xf32>
      %add3A_272 = arith.addf %dot_general3A_261, %dot_general3A_271 : vector<64x4xf32>
      %slice3A_273 = vector.extract_strided_slice %reduce_sum3A_251 {offsets = [0, 0, 2, 0], sizes = [16, 4, 1, 128], strides = [1, 1, 1, 1]} : vector<16x4x7x128xf32> to vector<16x4x1x128xf32>
      %squeeze3A_274 = vector.shape_cast %slice3A_273 : vector<16x4x1x128xf32> to vector<16x4x128xf32>
      %reshape3A_275 = vector.shape_cast %squeeze3A_274 : vector<16x4x128xf32> to vector<64x128xf32>
      %get3A_276 = arith.constant 2 : index
      %get3A_277 = arith.constant 0 : index
      %get3A_278 = arith.constant 0 : index
      %get3A_279 = vector.load %arg1[%get3A_276, %get3A_277, %get3A_278] : memref<7x128x4xf32, #tpu.memory_space<vmem>>, vector<1x128x4xf32>
      %get3A_280 = vector.shape_cast %get3A_279 : vector<1x128x4xf32> to vector<128x4xf32>
      %dot_general3A_281 = arith.constant dense<0.000000e+00> : vector<64x4xf32>
      %dot_general3A_282 = tpu.matmul %reshape3A_275, %get3A_280, %dot_general3A_281 {dimension_numbers = #tpu.dot_dimension_numbers<[1], [0], [0], [1], [0, 0, 1, 1], [], []>, precision = #tpu.contract_precision<fp32>, transpose_lhs_hint = false} : vector<64x128xf32>, vector<128x4xf32>, vector<64x4xf32> -> vector<64x4xf32>
      %add3A_283 = arith.addf %add3A_272, %dot_general3A_282 : vector<64x4xf32>
      %slice3A_284 = vector.extract_strided_slice %reduce_sum3A_251 {offsets = [0, 0, 3, 0], sizes = [16, 4, 1, 128], strides = [1, 1, 1, 1]} : vector<16x4x7x128xf32> to vector<16x4x1x128xf32>
      %squeeze3A_285 = vector.shape_cast %slice3A_284 : vector<16x4x1x128xf32> to vector<16x4x128xf32>
      %reshape3A_286 = vector.shape_cast %squeeze3A_285 : vector<16x4x128xf32> to vector<64x128xf32>
      %get3A_287 = arith.constant 3 : index
      %get3A_288 = arith.constant 0 : index
      %get3A_289 = arith.constant 0 : index
      %get3A_290 = vector.load %arg1[%get3A_287, %get3A_288, %get3A_289] : memref<7x128x4xf32, #tpu.memory_space<vmem>>, vector<1x128x4xf32>
      %get3A_291 = vector.shape_cast %get3A_290 : vector<1x128x4xf32> to vector<128x4xf32>
      %dot_general3A_292 = arith.constant dense<0.000000e+00> : vector<64x4xf32>
      %dot_general3A_293 = tpu.matmul %reshape3A_286, %get3A_291, %dot_general3A_292 {dimension_numbers = #tpu.dot_dimension_numbers<[1], [0], [0], [1], [0, 0, 1, 1], [], []>, precision = #tpu.contract_precision<fp32>, transpose_lhs_hint = false} : vector<64x128xf32>, vector<128x4xf32>, vector<64x4xf32> -> vector<64x4xf32>
      %add3A_294 = arith.addf %add3A_283, %dot_general3A_293 : vector<64x4xf32>
      %slice3A_295 = vector.extract_strided_slice %reduce_sum3A_251 {offsets = [0, 0, 4, 0], sizes = [16, 4, 1, 128], strides = [1, 1, 1, 1]} : vector<16x4x7x128xf32> to vector<16x4x1x128xf32>
      %squeeze3A_296 = vector.shape_cast %slice3A_295 : vector<16x4x1x128xf32> to vector<16x4x128xf32>
      %reshape3A_297 = vector.shape_cast %squeeze3A_296 : vector<16x4x128xf32> to vector<64x128xf32>
      %get3A_298 = arith.constant 4 : index
      %get3A_299 = arith.constant 0 : index
      %get3A_300 = arith.constant 0 : index
      %get3A_301 = vector.load %arg1[%get3A_298, %get3A_299, %get3A_300] : memref<7x128x4xf32, #tpu.memory_space<vmem>>, vector<1x128x4xf32>
      %get3A_302 = vector.shape_cast %get3A_301 : vector<1x128x4xf32> to vector<128x4xf32>
      %dot_general3A_303 = arith.constant dense<0.000000e+00> : vector<64x4xf32>
      %dot_general3A_304 = tpu.matmul %reshape3A_297, %get3A_302, %dot_general3A_303 {dimension_numbers = #tpu.dot_dimension_numbers<[1], [0], [0], [1], [0, 0, 1, 1], [], []>, precision = #tpu.contract_precision<fp32>, transpose_lhs_hint = false} : vector<64x128xf32>, vector<128x4xf32>, vector<64x4xf32> -> vector<64x4xf32>
      %add3A_305 = arith.addf %add3A_294, %dot_general3A_304 : vector<64x4xf32>
      %slice3A_306 = vector.extract_strided_slice %reduce_sum3A_251 {offsets = [0, 0, 5, 0], sizes = [16, 4, 1, 128], strides = [1, 1, 1, 1]} : vector<16x4x7x128xf32> to vector<16x4x1x128xf32>
      %squeeze3A_307 = vector.shape_cast %slice3A_306 : vector<16x4x1x128xf32> to vector<16x4x128xf32>
      %reshape3A_308 = vector.shape_cast %squeeze3A_307 : vector<16x4x128xf32> to vector<64x128xf32>
      %get3A_309 = arith.constant 5 : index
      %get3A_310 = arith.constant 0 : index
      %get3A_311 = arith.constant 0 : index
      %get3A_312 = vector.load %arg1[%get3A_309, %get3A_310, %get3A_311] : memref<7x128x4xf32, #tpu.memory_space<vmem>>, vector<1x128x4xf32>
      %get3A_313 = vector.shape_cast %get3A_312 : vector<1x128x4xf32> to vector<128x4xf32>
      %dot_general3A_314 = arith.constant dense<0.000000e+00> : vector<64x4xf32>
      %dot_general3A_315 = tpu.matmul %reshape3A_308, %get3A_313, %dot_general3A_314 {dimension_numbers = #tpu.dot_dimension_numbers<[1], [0], [0], [1], [0, 0, 1, 1], [], []>, precision = #tpu.contract_precision<fp32>, transpose_lhs_hint = false} : vector<64x128xf32>, vector<128x4xf32>, vector<64x4xf32> -> vector<64x4xf32>
      %add3A_316 = arith.addf %add3A_305, %dot_general3A_315 : vector<64x4xf32>
      %slice3A_317 = vector.extract_strided_slice %reduce_sum3A_251 {offsets = [0, 0, 6, 0], sizes = [16, 4, 1, 128], strides = [1, 1, 1, 1]} : vector<16x4x7x128xf32> to vector<16x4x1x128xf32>
      %squeeze3A_318 = vector.shape_cast %slice3A_317 : vector<16x4x1x128xf32> to vector<16x4x128xf32>
      %reshape3A_319 = vector.shape_cast %squeeze3A_318 : vector<16x4x128xf32> to vector<64x128xf32>
      %get3A_320 = arith.constant 6 : index
      %get3A_321 = arith.constant 0 : index
      %get3A_322 = arith.constant 0 : index
      %get3A_323 = vector.load %arg1[%get3A_320, %get3A_321, %get3A_322] : memref<7x128x4xf32, #tpu.memory_space<vmem>>, vector<1x128x4xf32>
      %get3A_324 = vector.shape_cast %get3A_323 : vector<1x128x4xf32> to vector<128x4xf32>
      %dot_general3A_325 = arith.constant dense<0.000000e+00> : vector<64x4xf32>
      %dot_general3A_326 = tpu.matmul %reshape3A_319, %get3A_324, %dot_general3A_325 {dimension_numbers = #tpu.dot_dimension_numbers<[1], [0], [0], [1], [0, 0, 1, 1], [], []>, precision = #tpu.contract_precision<fp32>, transpose_lhs_hint = false} : vector<64x128xf32>, vector<128x4xf32>, vector<64x4xf32> -> vector<64x4xf32>
      %add3A_327 = arith.addf %add3A_316, %dot_general3A_326 : vector<64x4xf32>
      %mul3A_328 = arith.constant 16 : i32
      %mul3A_329 = arith.muli %add3A_236, %mul3A_328 : i32
      %mul3A_330 = arith.constant 4 : i32
      %mul3A_331 = arith.muli %mul3A_329, %mul3A_330 : i32
      %swap3A_332 = arith.index_cast %mul3A_331 : i32 to index
      %swap3A_333 = arith.constant 0 : index
      %swap3A_334 = vector.load %arg2[%swap3A_332, %swap3A_333] : memref<24576x4xf32, #tpu.memory_space<vmem>>, vector<64x4xf32>
      tpu.vector_store %arg2[%swap3A_332, %swap3A_333], %add3A_327 {strides = array<i32>} : memref<24576x4xf32, #tpu.memory_space<vmem>>, vector<64x4xf32>,
      %add3A_335 = arith.constant 4 : i32
      %add3A_336 = arith.addi %add3A_236, %add3A_335 : i32
      %lt3A_337 = arith.constant 384 : i32
      %lt3A_338 = arith.cmpi slt, %add3A_336, %lt3A_337 : i32
      %convert_element_type3A_339 = arith.extui %lt3A_338 : i1 to i32
      %cond3A_340 = arith.constant 0 : i32
      %cond3A_341 = arith.cmpi ne, %convert_element_type3A_339, %cond3A_340 : i32
      scf.if %cond3A_341 {
        %mul3A_451 = arith.constant 16 : i32
        %mul3A_452 = arith.muli %add3A_336, %mul3A_451 : i32
        %dma_start3A_453 = arith.constant 0 : i32
        %dma_start3A_454 = arith.constant 0 : i32
        %dma_start3A_455 = arith.constant 0 : i32
        %dma_start3A_456 = arith.constant 0 : i32
        %dma_start3A_457 = tpu.memref_slice %arg0[%mul3A_452, %dma_start3A_453, %dma_start3A_454, %dma_start3A_455, %dma_start3A_456] : memref<6144x4x14x7x128xf32, #tpu.memory_space<any>> -> memref<16x4x14x7x128xf32, #tpu.memory_space<any>>
        tpu.enqueue_dma source(%dma_start3A_457 : memref<16x4x14x7x128xf32, #tpu.memory_space<any>>) target(%arg5 : memref<16x4x14x7x128xf32, #tpu.memory_space<vmem>>) target_semaphore(%arg9 : memref<!tpu.dma_semaphore, #tpu.memory_space<semaphore_mem>>)
      } else {
      }
      %mul3A_342 = arith.constant 4 : i32
      %mul3A_343 = arith.muli %scan3A_27, %mul3A_342 : i32
      %add3A_344 = arith.constant 3 : i32
      %add3A_345 = arith.addi %mul3A_343, %add3A_344 : i32
      %mul3A_346 = arith.constant 16 : i32
      %mul3A_347 = arith.muli %add3A_345, %mul3A_346 : i32
      %dma_wait3A_348 = arith.constant 0 : i32
      %dma_wait3A_349 = arith.constant 0 : i32
      %dma_wait3A_350 = arith.constant 0 : i32
      %dma_wait3A_351 = arith.constant 0 : i32
      %dma_wait3A_352 = tpu.memref_slice %arg0[%mul3A_347, %dma_wait3A_348, %dma_wait3A_349, %dma_wait3A_350, %dma_wait3A_351] : memref<6144x4x14x7x128xf32, #tpu.memory_space<any>> -> memref<16x4x14x7x128xf32, #tpu.memory_space<any>>
      tpu.wait_dma2 semaphore(%arg10 : memref<!tpu.dma_semaphore, #tpu.memory_space<semaphore_mem>>) src(%dma_wait3A_352 : memref<16x4x14x7x128xf32, #tpu.memory_space<any>>) dst(%arg6 : memref<16x4x14x7x128xf32, #tpu.memory_space<vmem>>)
      %get3A_353 = arith.constant 0 : index
      %get3A_354 = arith.constant 0 : index
      %get3A_355 = arith.constant 0 : index
      %get3A_356 = arith.constant 0 : index
      %get3A_357 = arith.constant 0 : index
      %get3A_358 = vector.load %arg6[%get3A_353, %get3A_354, %get3A_355, %get3A_356, %get3A_357] : memref<16x4x14x7x128xf32, #tpu.memory_space<vmem>>, vector<16x4x14x7x128xf32>
      %reduce_sum3A_359 = arith.constant dense<0.000000e+00> : vector<16x4x7x128xf32>
      %reduce_sum3A_360 = vector.multi_reduction <add>, %get3A_358, %reduce_sum3A_359 [2] : vector<16x4x14x7x128xf32> to vector<16x4x7x128xf32>
      %slice3A_361 = vector.extract_strided_slice %reduce_sum3A_360 {offsets = [0, 0, 0, 0], sizes = [16, 4, 1, 128], strides = [1, 1, 1, 1]} : vector<16x4x7x128xf32> to vector<16x4x1x128xf32>
      %squeeze3A_362 = vector.shape_cast %slice3A_361 : vector<16x4x1x128xf32> to vector<16x4x128xf32>
      %reshape3A_363 = vector.shape_cast %squeeze3A_362 : vector<16x4x128xf32> to vector<64x128xf32>
      %get3A_364 = arith.constant 0 : index
      %get3A_365 = arith.constant 0 : index
      %get3A_366 = arith.constant 0 : index
      %get3A_367 = vector.load %arg1[%get3A_364, %get3A_365, %get3A_366] : memref<7x128x4xf32, #tpu.memory_space<vmem>>, vector<1x128x4xf32>
      %get3A_368 = vector.shape_cast %get3A_367 : vector<1x128x4xf32> to vector<128x4xf32>
      %dot_general3A_369 = arith.constant dense<0.000000e+00> : vector<64x4xf32>
      %dot_general3A_370 = tpu.matmul %reshape3A_363, %get3A_368, %dot_general3A_369 {dimension_numbers = #tpu.dot_dimension_numbers<[1], [0], [0], [1], [0, 0, 1, 1], [], []>, precision = #tpu.contract_precision<fp32>, transpose_lhs_hint = false} : vector<64x128xf32>, vector<128x4xf32>, vector<64x4xf32> -> vector<64x4xf32>
      %slice3A_371 = vector.extract_strided_slice %reduce_sum3A_360 {offsets = [0, 0, 1, 0], sizes = [16, 4, 1, 128], strides = [1, 1, 1, 1]} : vector<16x4x7x128xf32> to vector<16x4x1x128xf32>
      %squeeze3A_372 = vector.shape_cast %slice3A_371 : vector<16x4x1x128xf32> to vector<16x4x128xf32>
      %reshape3A_373 = vector.shape_cast %squeeze3A_372 : vector<16x4x128xf32> to vector<64x128xf32>
      %get3A_374 = arith.constant 1 : index
      %get3A_375 = arith.constant 0 : index
      %get3A_376 = arith.constant 0 : index
      %get3A_377 = vector.load %arg1[%get3A_374, %get3A_375, %get3A_376] : memref<7x128x4xf32, #tpu.memory_space<vmem>>, vector<1x128x4xf32>
      %get3A_378 = vector.shape_cast %get3A_377 : vector<1x128x4xf32> to vector<128x4xf32>
      %dot_general3A_379 = arith.constant dense<0.000000e+00> : vector<64x4xf32>
      %dot_general3A_380 = tpu.matmul %reshape3A_373, %get3A_378, %dot_general3A_379 {dimension_numbers = #tpu.dot_dimension_numbers<[1], [0], [0], [1], [0, 0, 1, 1], [], []>, precision = #tpu.contract_precision<fp32>, transpose_lhs_hint = false} : vector<64x128xf32>, vector<128x4xf32>, vector<64x4xf32> -> vector<64x4xf32>
      %add3A_381 = arith.addf %dot_general3A_370, %dot_general3A_380 : vector<64x4xf32>
      %slice3A_382 = vector.extract_strided_slice %reduce_sum3A_360 {offsets = [0, 0, 2, 0], sizes = [16, 4, 1, 128], strides = [1, 1, 1, 1]} : vector<16x4x7x128xf32> to vector<16x4x1x128xf32>
      %squeeze3A_383 = vector.shape_cast %slice3A_382 : vector<16x4x1x128xf32> to vector<16x4x128xf32>
      %reshape3A_384 = vector.shape_cast %squeeze3A_383 : vector<16x4x128xf32> to vector<64x128xf32>
      %get3A_385 = arith.constant 2 : index
      %get3A_386 = arith.constant 0 : index
      %get3A_387 = arith.constant 0 : index
      %get3A_388 = vector.load %arg1[%get3A_385, %get3A_386, %get3A_387] : memref<7x128x4xf32, #tpu.memory_space<vmem>>, vector<1x128x4xf32>
      %get3A_389 = vector.shape_cast %get3A_388 : vector<1x128x4xf32> to vector<128x4xf32>
      %dot_general3A_390 = arith.constant dense<0.000000e+00> : vector<64x4xf32>
      %dot_general3A_391 = tpu.matmul %reshape3A_384, %get3A_389, %dot_general3A_390 {dimension_numbers = #tpu.dot_dimension_numbers<[1], [0], [0], [1], [0, 0, 1, 1], [], []>, precision = #tpu.contract_precision<fp32>, transpose_lhs_hint = false} : vector<64x128xf32>, vector<128x4xf32>, vector<64x4xf32> -> vector<64x4xf32>
      %add3A_392 = arith.addf %add3A_381, %dot_general3A_391 : vector<64x4xf32>
      %slice3A_393 = vector.extract_strided_slice %reduce_sum3A_360 {offsets = [0, 0, 3, 0], sizes = [16, 4, 1, 128], strides = [1, 1, 1, 1]} : vector<16x4x7x128xf32> to vector<16x4x1x128xf32>
      %squeeze3A_394 = vector.shape_cast %slice3A_393 : vector<16x4x1x128xf32> to vector<16x4x128xf32>
      %reshape3A_395 = vector.shape_cast %squeeze3A_394 : vector<16x4x128xf32> to vector<64x128xf32>
      %get3A_396 = arith.constant 3 : index
      %get3A_397 = arith.constant 0 : index
      %get3A_398 = arith.constant 0 : index
      %get3A_399 = vector.load %arg1[%get3A_396, %get3A_397, %get3A_398] : memref<7x128x4xf32, #tpu.memory_space<vmem>>, vector<1x128x4xf32>
      %get3A_400 = vector.shape_cast %get3A_399 : vector<1x128x4xf32> to vector<128x4xf32>
      %dot_general3A_401 = arith.constant dense<0.000000e+00> : vector<64x4xf32>
      %dot_general3A_402 = tpu.matmul %reshape3A_395, %get3A_400, %dot_general3A_401 {dimension_numbers = #tpu.dot_dimension_numbers<[1], [0], [0], [1], [0, 0, 1, 1], [], []>, precision = #tpu.contract_precision<fp32>, transpose_lhs_hint = false} : vector<64x128xf32>, vector<128x4xf32>, vector<64x4xf32> -> vector<64x4xf32>
      %add3A_403 = arith.addf %add3A_392, %dot_general3A_402 : vector<64x4xf32>
      %slice3A_404 = vector.extract_strided_slice %reduce_sum3A_360 {offsets = [0, 0, 4, 0], sizes = [16, 4, 1, 128], strides = [1, 1, 1, 1]} : vector<16x4x7x128xf32> to vector<16x4x1x128xf32>
      %squeeze3A_405 = vector.shape_cast %slice3A_404 : vector<16x4x1x128xf32> to vector<16x4x128xf32>
      %reshape3A_406 = vector.shape_cast %squeeze3A_405 : vector<16x4x128xf32> to vector<64x128xf32>
      %get3A_407 = arith.constant 4 : index
      %get3A_408 = arith.constant 0 : index
      %get3A_409 = arith.constant 0 : index
      %get3A_410 = vector.load %arg1[%get3A_407, %get3A_408, %get3A_409] : memref<7x128x4xf32, #tpu.memory_space<vmem>>, vector<1x128x4xf32>
      %get3A_411 = vector.shape_cast %get3A_410 : vector<1x128x4xf32> to vector<128x4xf32>
      %dot_general3A_412 = arith.constant dense<0.000000e+00> : vector<64x4xf32>
      %dot_general3A_413 = tpu.matmul %reshape3A_406, %get3A_411, %dot_general3A_412 {dimension_numbers = #tpu.dot_dimension_numbers<[1], [0], [0], [1], [0, 0, 1, 1], [], []>, precision = #tpu.contract_precision<fp32>, transpose_lhs_hint = false} : vector<64x128xf32>, vector<128x4xf32>, vector<64x4xf32> -> vector<64x4xf32>
      %add3A_414 = arith.addf %add3A_403, %dot_general3A_413 : vector<64x4xf32>
      %slice3A_415 = vector.extract_strided_slice %reduce_sum3A_360 {offsets = [0, 0, 5, 0], sizes = [16, 4, 1, 128], strides = [1, 1, 1, 1]} : vector<16x4x7x128xf32> to vector<16x4x1x128xf32>
      %squeeze3A_416 = vector.shape_cast %slice3A_415 : vector<16x4x1x128xf32> to vector<16x4x128xf32>
      %reshape3A_417 = vector.shape_cast %squeeze3A_416 : vector<16x4x128xf32> to vector<64x128xf32>
      %get3A_418 = arith.constant 5 : index
      %get3A_419 = arith.constant 0 : index
      %get3A_420 = arith.constant 0 : index
      %get3A_421 = vector.load %arg1[%get3A_418, %get3A_419, %get3A_420] : memref<7x128x4xf32, #tpu.memory_space<vmem>>, vector<1x128x4xf32>
      %get3A_422 = vector.shape_cast %get3A_421 : vector<1x128x4xf32> to vector<128x4xf32>
      %dot_general3A_423 = arith.constant dense<0.000000e+00> : vector<64x4xf32>
      %dot_general3A_424 = tpu.matmul %reshape3A_417, %get3A_422, %dot_general3A_423 {dimension_numbers = #tpu.dot_dimension_numbers<[1], [0], [0], [1], [0, 0, 1, 1], [], []>, precision = #tpu.contract_precision<fp32>, transpose_lhs_hint = false} : vector<64x128xf32>, vector<128x4xf32>, vector<64x4xf32> -> vector<64x4xf32>
      %add3A_425 = arith.addf %add3A_414, %dot_general3A_424 : vector<64x4xf32>
      %slice3A_426 = vector.extract_strided_slice %reduce_sum3A_360 {offsets = [0, 0, 6, 0], sizes = [16, 4, 1, 128], strides = [1, 1, 1, 1]} : vector<16x4x7x128xf32> to vector<16x4x1x128xf32>
      %squeeze3A_427 = vector.shape_cast %slice3A_426 : vector<16x4x1x128xf32> to vector<16x4x128xf32>
      %reshape3A_428 = vector.shape_cast %squeeze3A_427 : vector<16x4x128xf32> to vector<64x128xf32>
      %get3A_429 = arith.constant 6 : index
      %get3A_430 = arith.constant 0 : index
      %get3A_431 = arith.constant 0 : index
      %get3A_432 = vector.load %arg1[%get3A_429, %get3A_430, %get3A_431] : memref<7x128x4xf32, #tpu.memory_space<vmem>>, vector<1x128x4xf32>
      %get3A_433 = vector.shape_cast %get3A_432 : vector<1x128x4xf32> to vector<128x4xf32>
      %dot_general3A_434 = arith.constant dense<0.000000e+00> : vector<64x4xf32>
      %dot_general3A_435 = tpu.matmul %reshape3A_428, %get3A_433, %dot_general3A_434 {dimension_numbers = #tpu.dot_dimension_numbers<[1], [0], [0], [1], [0, 0, 1, 1], [], []>, precision = #tpu.contract_precision<fp32>, transpose_lhs_hint = false} : vector<64x128xf32>, vector<128x4xf32>, vector<64x4xf32> -> vector<64x4xf32>
      %add3A_436 = arith.addf %add3A_425, %dot_general3A_435 : vector<64x4xf32>
      %mul3A_437 = arith.constant 16 : i32
      %mul3A_438 = arith.muli %add3A_345, %mul3A_437 : i32
      %mul3A_439 = arith.constant 4 : i32
      %mul3A_440 = arith.muli %mul3A_438, %mul3A_439 : i32
      %swap3A_441 = arith.index_cast %mul3A_440 : i32 to index
      %swap3A_442 = arith.constant 0 : index
      %swap3A_443 = vector.load %arg2[%swap3A_441, %swap3A_442] : memref<24576x4xf32, #tpu.memory_space<vmem>>, vector<64x4xf32>
      tpu.vector_store %arg2[%swap3A_441, %swap3A_442], %add3A_436 {strides = array<i32>} : memref<24576x4xf32, #tpu.memory_space<vmem>>, vector<64x4xf32>,
      %add3A_444 = arith.constant 4 : i32
      %add3A_445 = arith.addi %add3A_345, %add3A_444 : i32
      %lt3A_446 = arith.constant 384 : i32
      %lt3A_447 = arith.cmpi slt, %add3A_445, %lt3A_446 : i32
      %convert_element_type3A_448 = arith.extui %lt3A_447 : i1 to i32
      %cond3A_449 = arith.constant 0 : i32
      %cond3A_450 = arith.cmpi ne, %convert_element_type3A_448, %cond3A_449 : i32
      scf.if %cond3A_450 {
        %mul3A_451 = arith.constant 16 : i32
        %mul3A_452 = arith.muli %add3A_445, %mul3A_451 : i32
        %dma_start3A_453 = arith.constant 0 : i32
        %dma_start3A_454 = arith.constant 0 : i32
        %dma_start3A_455 = arith.constant 0 : i32
        %dma_start3A_456 = arith.constant 0 : i32
        %dma_start3A_457 = tpu.memref_slice %arg0[%mul3A_452, %dma_start3A_453, %dma_start3A_454, %dma_start3A_455, %dma_start3A_456] : memref<6144x4x14x7x128xf32, #tpu.memory_space<any>> -> memref<16x4x14x7x128xf32, #tpu.memory_space<any>>
        tpu.enqueue_dma source(%dma_start3A_457 : memref<16x4x14x7x128xf32, #tpu.memory_space<any>>) target(%arg6 : memref<16x4x14x7x128xf32, #tpu.memory_space<vmem>>) target_semaphore(%arg10 : memref<!tpu.dma_semaphore, #tpu.memory_space<semaphore_mem>>)
      } else {
      }
    }
    %scan3A_26 = arith.constant 96 : i32
    return
  }
}

module attributes {stable_mosaic.version = 14 : i64} {
  func.func @_head_body(%arg0: memref<16x6144xf32, #tpu.memory_space<vmem>>, %arg1: memref<32x6144xf32, #tpu.memory_space<vmem>>, %arg2: memref<1x32xf32, #tpu.memory_space<vmem>>, %arg3: memref<16x32xf32, #tpu.memory_space<vmem>>, %arg4: memref<1x16xf32, #tpu.memory_space<vmem>>, %arg5: memref<16x16xf32, #tpu.memory_space<vmem>>, %arg6: memref<16x8xi32, #tpu.memory_space<vmem>>) attributes {dimension_semantics = [], scalar_prefetch = 0 : i64, scratch_operands = 0 : i64, tpu.core_type = #tpu.core_type<tc>} {
    %get3A = arith.constant 0 : index
    %get3A_0 = arith.constant 0 : index
    %get3A_1 = vector.load %arg0[%get3A, %get3A_0] : memref<16x6144xf32, #tpu.memory_space<vmem>>, vector<16x6144xf32>
    %mul3A = arith.constant 3.18877544E-4 : f32
    %mul3A_2 = vector.broadcast %mul3A : f32 to vector<16x6144xf32>
    %mul3A_3 = arith.mulf %get3A_1, %mul3A_2 : vector<16x6144xf32>
    %get3A_4 = arith.constant 0 : index
    %get3A_5 = arith.constant 0 : index
    %get3A_6 = vector.load %arg1[%get3A_4, %get3A_5] : memref<32x6144xf32, #tpu.memory_space<vmem>>, vector<32x6144xf32>
    %dot_general3A = arith.constant dense<0.000000e+00> : vector<16x32xf32>
    %dot_general3A_7 = tpu.matmul %mul3A_3, %get3A_6, %dot_general3A {dimension_numbers = #tpu.dot_dimension_numbers<[1], [1], [0], [0], [0, 0, 1, 0], [], []>, transpose_lhs_hint = false} : vector<16x6144xf32>, vector<32x6144xf32>, vector<16x32xf32> -> vector<16x32xf32>
    %get3A_8 = arith.constant 0 : index
    %get3A_9 = arith.constant 0 : index
    %get3A_10 = vector.load %arg2[%get3A_8, %get3A_9] : memref<1x32xf32, #tpu.memory_space<vmem>>, vector<1x32xf32>
    %add3A = vector.broadcast %get3A_10 : vector<1x32xf32> to vector<16x32xf32>
    %add3A_11 = arith.addf %dot_general3A_7, %add3A : vector<16x32xf32>
    %max3A = arith.constant 0.000000e+00 : f32
    %max3A_12 = vector.broadcast %max3A : f32 to vector<16x32xf32>
    %max3A_13 = arith.maximumf %add3A_11, %max3A_12 : vector<16x32xf32>
    %get3A_14 = arith.constant 0 : index
    %get3A_15 = arith.constant 0 : index
    %get3A_16 = vector.load %arg3[%get3A_14, %get3A_15] : memref<16x32xf32, #tpu.memory_space<vmem>>, vector<16x32xf32>
    %dot_general3A_17 = arith.constant dense<0.000000e+00> : vector<16x16xf32>
    %dot_general3A_18 = tpu.matmul %max3A_13, %get3A_16, %dot_general3A_17 {dimension_numbers = #tpu.dot_dimension_numbers<[1], [1], [0], [0], [0, 0, 1, 0], [], []>, transpose_lhs_hint = false} : vector<16x32xf32>, vector<16x32xf32>, vector<16x16xf32> -> vector<16x16xf32>
    %get3A_19 = arith.constant 0 : index
    %get3A_20 = arith.constant 0 : index
    %get3A_21 = vector.load %arg4[%get3A_19, %get3A_20] : memref<1x16xf32, #tpu.memory_space<vmem>>, vector<1x16xf32>
    %add3A_22 = vector.broadcast %get3A_21 : vector<1x16xf32> to vector<16x16xf32>
    %add3A_23 = arith.addf %dot_general3A_18, %add3A_22 : vector<16x16xf32>
    %iota3A = tpu.iota {dimensions = array<i32: 1>} : vector<16x16xi32>
    %reduce_max3A = arith.constant dense<0xFF800000> : vector<16xf32>
    %reduce_max3A_24 = vector.multi_reduction <maximumf>, %add3A_23, %reduce_max3A [1] : vector<16x16xf32> to vector<16xf32>
    %broadcast_in_dim3A = vector.shape_cast %reduce_max3A_24 : vector<16xf32> to vector<16x1xf32>
    %eq3A = vector.broadcast %broadcast_in_dim3A : vector<16x1xf32> to vector<16x16xf32>
    %eq3A_25 = arith.cmpf oeq, %add3A_23, %eq3A : vector<16x16xf32>
    %jit3A = arith.constant 16 : i32
    %broadcast_in_dim3A_26 = vector.broadcast %jit3A : i32 to vector<16x16xi32>
    %select_n3A = arith.select %eq3A_25, %iota3A, %broadcast_in_dim3A_26 : vector<16x16xi1>, vector<16x16xi32>
    %reduce_min3A = arith.constant dense<2147483647> : vector<16xi32>
    %reduce_min3A_27 = vector.multi_reduction <minsi>, %select_n3A, %reduce_min3A [1] : vector<16x16xi32> to vector<16xi32>
    %broadcast_in_dim3A_28 = vector.shape_cast %reduce_min3A_27 : vector<16xi32> to vector<16x1xi32>
    %eq3A_29 = vector.broadcast %broadcast_in_dim3A_28 : vector<16x1xi32> to vector<16x16xi32>
    %eq3A_30 = arith.cmpi eq, %iota3A, %eq3A_29 : vector<16x16xi32>
    %jit3A_31 = arith.constant -3.000000e+38 : f32
    %broadcast_in_dim3A_32 = vector.broadcast %jit3A_31 : f32 to vector<16x16xf32>
    %select_n3A_33 = arith.select %eq3A_30, %broadcast_in_dim3A_32, %add3A_23 : vector<16x16xi1>, vector<16x16xf32>
    %reduce_max3A_34 = arith.constant dense<0xFF800000> : vector<16xf32>
    %reduce_max3A_35 = vector.multi_reduction <maximumf>, %select_n3A_33, %reduce_max3A_34 [1] : vector<16x16xf32> to vector<16xf32>
    %broadcast_in_dim3A_36 = vector.shape_cast %reduce_max3A_35 : vector<16xf32> to vector<16x1xf32>
    %eq3A_37 = vector.broadcast %broadcast_in_dim3A_36 : vector<16x1xf32> to vector<16x16xf32>
    %eq3A_38 = arith.cmpf oeq, %select_n3A_33, %eq3A_37 : vector<16x16xf32>
    %jit3A_39 = arith.constant 16 : i32
    %broadcast_in_dim3A_40 = vector.broadcast %jit3A_39 : i32 to vector<16x16xi32>
    %select_n3A_41 = arith.select %eq3A_38, %iota3A, %broadcast_in_dim3A_40 : vector<16x16xi1>, vector<16x16xi32>
    %reduce_min3A_42 = arith.constant dense<2147483647> : vector<16xi32>
    %reduce_min3A_43 = vector.multi_reduction <minsi>, %select_n3A_41, %reduce_min3A_42 [1] : vector<16x16xi32> to vector<16xi32>
    %broadcast_in_dim3A_44 = vector.shape_cast %reduce_min3A_43 : vector<16xi32> to vector<16x1xi32>
    %sub3A = arith.subf %broadcast_in_dim3A_36, %broadcast_in_dim3A : vector<16x1xf32>
    %exp3A = math.exp %sub3A : vector<16x1xf32>
    %add3A_45 = arith.constant 1.000000e+00 : f32
    %add3A_46 = vector.broadcast %add3A_45 : f32 to vector<16x1xf32>
    %add3A_47 = arith.addf %add3A_46, %exp3A : vector<16x1xf32>
    %div3A = arith.constant 1.000000e+00 : f32
    %div3A_48 = vector.broadcast %div3A : f32 to vector<16x1xf32>
    %div3A_49 = arith.divf %div3A_48, %add3A_47 : vector<16x1xf32>
    %div3A_50 = arith.divf %exp3A, %add3A_47 : vector<16x1xf32>
    %eq3A_51 = vector.broadcast %broadcast_in_dim3A_28 : vector<16x1xi32> to vector<16x16xi32>
    %eq3A_52 = arith.cmpi eq, %iota3A, %eq3A_51 : vector<16x16xi32>
    %jit3A_53 = arith.constant 0.000000e+00 : f32
    %broadcast_in_dim3A_54 = vector.shape_cast %div3A_49 : vector<16x1xf32> to vector<16x1xf32>
    %broadcast_in_dim3A_55 = vector.broadcast %broadcast_in_dim3A_54 : vector<16x1xf32> to vector<16x16xf32>
    %broadcast_in_dim3A_56 = vector.broadcast %jit3A_53 : f32 to vector<16x16xf32>
    %select_n3A_57 = arith.select %eq3A_52, %broadcast_in_dim3A_55, %broadcast_in_dim3A_56 : vector<16x16xi1>, vector<16x16xf32>
    %eq3A_58 = vector.broadcast %broadcast_in_dim3A_44 : vector<16x1xi32> to vector<16x16xi32>
    %eq3A_59 = arith.cmpi eq, %iota3A, %eq3A_58 : vector<16x16xi32>
    %jit3A_60 = arith.constant 0.000000e+00 : f32
    %broadcast_in_dim3A_61 = vector.shape_cast %div3A_50 : vector<16x1xf32> to vector<16x1xf32>
    %broadcast_in_dim3A_62 = vector.broadcast %broadcast_in_dim3A_61 : vector<16x1xf32> to vector<16x16xf32>
    %broadcast_in_dim3A_63 = vector.broadcast %jit3A_60 : f32 to vector<16x16xf32>
    %select_n3A_64 = arith.select %eq3A_59, %broadcast_in_dim3A_62, %broadcast_in_dim3A_63 : vector<16x16xi1>, vector<16x16xf32>
    %add3A_65 = arith.addf %select_n3A_57, %select_n3A_64 : vector<16x16xf32>
    %swap3A = arith.constant 0 : index
    %swap3A_66 = arith.constant 0 : index
    %swap3A_67 = vector.load %arg5[%swap3A, %swap3A_66] : memref<16x16xf32, #tpu.memory_space<vmem>>, vector<16x16xf32>
    tpu.vector_store %arg5[%swap3A, %swap3A_66], %add3A_65 {strides = array<i32>} : memref<16x16xf32, #tpu.memory_space<vmem>>, vector<16x16xf32>,
    %iota3A_68 = tpu.iota {dimensions = array<i32: 1>} : vector<16x8xi32>
    %eq3A_69 = arith.constant 0 : i32
    %eq3A_70 = vector.broadcast %eq3A_69 : i32 to vector<16x8xi32>
    %eq3A_71 = arith.cmpi eq, %iota3A_68, %eq3A_70 : vector<16x8xi32>
    %eq3A_72 = arith.constant 1 : i32
    %eq3A_73 = vector.broadcast %eq3A_72 : i32 to vector<16x8xi32>
    %eq3A_74 = arith.cmpi eq, %iota3A_68, %eq3A_73 : vector<16x8xi32>
    %jit3A_75 = arith.constant 0 : i32
    %broadcast_in_dim3A_76 = vector.shape_cast %broadcast_in_dim3A_44 : vector<16x1xi32> to vector<16x1xi32>
    %broadcast_in_dim3A_77 = vector.broadcast %broadcast_in_dim3A_76 : vector<16x1xi32> to vector<16x8xi32>
    %broadcast_in_dim3A_78 = vector.broadcast %jit3A_75 : i32 to vector<16x8xi32>
    %select_n3A_79 = arith.select %eq3A_74, %broadcast_in_dim3A_77, %broadcast_in_dim3A_78 : vector<16x8xi1>, vector<16x8xi32>
    %broadcast_in_dim3A_80 = vector.shape_cast %broadcast_in_dim3A_28 : vector<16x1xi32> to vector<16x1xi32>
    %broadcast_in_dim3A_81 = vector.broadcast %broadcast_in_dim3A_80 : vector<16x1xi32> to vector<16x8xi32>
    %select_n3A_82 = arith.select %eq3A_71, %broadcast_in_dim3A_81, %select_n3A_79 : vector<16x8xi1>, vector<16x8xi32>
    %swap3A_83 = arith.constant 0 : index
    %swap3A_84 = arith.constant 0 : index
    %swap3A_85 = vector.load %arg6[%swap3A_83, %swap3A_84] : memref<16x8xi32, #tpu.memory_space<vmem>>, vector<16x8xi32>
    tpu.vector_store %arg6[%swap3A_83, %swap3A_84], %select_n3A_82 {strides = array<i32>} : memref<16x8xi32, #tpu.memory_space<vmem>>, vector<16x8xi32>,
    return
  }
}

</mosaic_0001>

<sc_bundles>
// kernel: sparse-core-data-format-call.cloned.1.call-start
scs
called_computation_lowered:
.L_overlay_start_0:
0x0: {  	s2 =	sld [smem:$0x3FD9]  }
0x1: {  	s3 =	sld [smem:$0x3FFE];
	_ =	sdelay $0x1  }
0x2: {  	s1 =	srdreg.scid  }
0x3: {  	s0 =	sand.u32 $0x1, s1  }
0x4: {  	s18 =	sshll.u32 s0, $0xA;
	s2 =	sadd.s32 s3, s2  }
0x5: {  	s2 =	sadd.s32 s2, s18  }
0x6: {  	[smem:$0x3FC3] =	sst s2  }
0x7: {  	_ = 	snop  }
0x8: {  	s2 =	sld [smem:$0x3FC9];
	(tm) =	ssettm $0x1  }
0x9: {  	s19 =	sld [smem:$0x3FFB];
	_ =	sdelay $0x3  }
0xa: {  	_ =	strace s19  }
0xb: {  	s3 =	sld [smem:$0x3FFC];
	_ =	sdelay $0x3  }
0xc: {  	_ =	strace s3  }
0xd: {  	s3 =	sld [smem:$0x3FFD];
	_ =	sdelay $0x3  }
0xe: {  	_ =	strace s3  }
0xf: {  	_ =	strace $0x8FFFFFFF  }
0x10: {  	s20 =	sld [smem:$0x3FDB];
	_ =	sdelay $0x1  }
0x11: {  	s4 =	simm.s32 $_scs_section_size  }
0x12: {  	s5 =	simm.s32 $_size__tile_overlayer_lowered;
	s6 =	simm.s32 $_tile_overlayer_lowered  }
0x13: {  	s23 =	simm.s32 $0x1BFF;
	s22 =	sshll.u32 s6, $0x1;
	s3 =	sadd.s32 s4, s20  }
0x14: {  	s7 =	simm.s32 $0x0;
	s21 =	sshll.u32 s5, $0x1;
	s5 =	sadd.s32 s22, s3  }
0x15: {  	[timem:s7], [sflag:s23] =	dma.local [hbm:s5], s21  }
0x16: {  	_ =	swait.ge [sflag:s23], s21  }
0x17: {  	s4 =	ssub.s32 $0x0, s21;
	[sflag:s23] =	ssyncset.done $0x0  }
0x18: {  	[sflag:s23] =	ssyncadd.s32 s4;
	_ =	sdelay $0x1  }
0x19: {  	s24 =	simm.s32 $0x1B8B  }
0x1a: {  	_ =	swait.ge [sflag:s24], $0x1  }
0x1b: {  	[sflag:s24] =	ssyncset.done $0x0  }
0x1c: {  	s26 =	simm.s32 $0x1B8E;
	s25 =	sld [smem:$0x3FFE];
	[sflag:s24] =	ssyncadd.s32 $0xFFFFFFFF  }
0x1d: {  	s27 =	simm.s32 $execute0_lowered;
	[smem:$0x3FD2] =	sst s26  }
0x1e: {  	s5 =	sshll.u32 s27, $0x1;
	_ =	strace $0x80000046;
	[dreg:$0x1] =	wrdreg $0xFFFFFFFF  }
0x1f: {  	s28 =	simm.s32 $_size_execute0_lowered;
	s3 =	sadd.s32 s3, s5;
	[dreg:$0x0] =	wrdreg $0x0  }
0x20: {  	s5 =	sshll.u32 s28, $0x1;
	[dreg:$0x2] =	wrdreg s3  }
0x21: {  	[dreg:$0x3] =	wrdreg s5  }
0x22: {  	[dreg:$0x4] =	wrdreg $0xC0  }
0x23: {  	_ =	task [dreg:s7], $0x5FFFF  }
0x24: {  	[dreg:$0x1] =	wrdreg $0xFFFFFFFF  }
0x25: {  	[dreg:$0x0] =	wrdreg $0x60  }
0x26: {  	[dreg:$0x2] =	wrdreg s2  }
0x27: {  	[dreg:$0x3] =	wrdreg s25  }
0x28: {  	[dreg:$0x4] =	wrdreg $0x9  }
0x29: {  	_ =	task.clear_ibuf [dreg:s7], $0x5FFFF;
	_ =	strace $0x90000046  }
0x2a: {  	s29 =	simm.s32 $0x9;
	_ =	strace $0x80000048  }
0x2b: {  	_ =	swait.ge [sflag:s29], $0x1  }
0x2c: {  	[sflag:s29] =	ssyncadd.s32 $0xFFFFFFFF  }
0x2d: {  	_ =	strace $0x90000048  }
0x2e: {  	_ =	sfence  }
0x2f: {  	s30 =	sld [smem:$0x0];
	_ =	sdelay $0x2  }
0x30: {  	s31 =	sshll.u32 s1, $0xD;
	s1 =	sshrl.u32 s1, $0x2  }
0x31: {  	s3 =	sand.u32 $0x4000, s31;
	s1 =	sadd.s32 s1, s30  }
0x32: {  	s0 =	sor.u32 s3, s0;
	s1 =	sshll.u32 s1, $0x11  }
0x33: {  	s0 =	sor.u32 s1, s0  }
0x34: {  	s0 =	sadd.s32 $0x8F2B, s0  }
0x35: {  	[sflag:s0] =	ssyncadd.remote.s32 $0x1  }
0x36: {  	_ =	sfence.sel $0xFFFF  }
0x37: {  	[dreg:$0x0] =	wrdreg $0xFFFFFFFF;
	(pc) =	sbr.abs _section_cstart, $3  }
0x38: {  	[dreg:$0x1] =	wrdreg $0xFFFFFFFF  }
0x39: {  	_ =	task.clear_ibuf [dreg:s7], $0x2FFFF;
	_ =	strace $0x9FFFFFFF  }
0x3a: {  	(tm) =	ssettm $0x7FFFFFFF  }
0x3b: {  	_ =	shalt  }
tec
execute0_lowered:
.L_overlay_start_1:
0x0: {  	(tag) =	ssettag $0x1  }
0x1: {  	s1 =	rddreg [dreg:$0x0]  }
0x2: {  	s0 =	srdreg.scid;
	s3 =	rddreg [dreg:$0x1]  }
0x3: {  	s4 =	simm.s32 $0x1;
	s7 =	simm.s32 $0x2;
	s16 =	simm.s32 $0x0  }
0x4: {  	p0 =	por $0x0, $0x0;
	s8 =	simm.s32 $0xC00;
	s9 =	simm.s32 $0xE000  }
0x5: {  	s15 =	simm.s32 $0x0;
	s18 =	simm.s32 $0x0;
	s2 =	sand.u32 $0x1, s0  }
0x6: {  	s17 =	simm.s32 $0x0;
	s10 =	simm.s32 $0x0;
	s5 =	ssub.s32 $0xE0, s2  }
.Ltmp0:
0x7: {  	s11 =	simm.s32 $0x0;
	s6 =	sshrl.u32 s5, $0x1;
	(pc) =	sbr.rel .LBB1_1-.Ltmp0, $4  }
0x8: {  	s0 =	rddreg [dreg:$0x2];
	_ =	strace $0x80000047;
	s5 =	ssub.s32 s5, s6  }
0x9: {  	s13 =	stileid.u32;
	[sflag:s4] =	ssyncpa.u1 $0x0;
	s5 =	smul.u32 $0x6, s5  }
0xa: {  	s14 =	simm.s32 $0x0;
	s12 =	smov.u32 s2;
	[sflag:s7] =	ssyncpa.u1 $0x0  }
0xb: {  	s6 =	sadd.s32 $0x1000, s3;
	s3 =	stileid.u32;
	s7 =	sor.u32 $0x1, s5  }
.LBB1_6:
0xc: {  	s24 =	sshll.u32 s18, $0x8;
	s25 =	sshll.u32 s15, $0x3;
	v5 =	vld [tilespmem:s22+$0xFFFFFFD0];
	[tilespmem:s21+$0x2040 ss:$0x81] =	vst.msk $0xffff, v4  }
0xd: {  	s26 =	sshll.u32 s18, $0x7;
	v58 =	vld [tilespmem:s22+$0xFFFFFFE0];
	[tilespmem:s21+$0x2850 ss:$0x81] =	vst.msk $0xffff, v2;
	s24 =	sand.u32 $0xFFFFF800, s24;
	s25 =	sand.u32 $0xFFFFFC00, s25  }
0xe: {  	s23 =	sshra.s32 s23, $0x2;
	v59 =	vld [tilespmem:s22+$0xFFFFFFF0];
	[tilespmem:s21+$0x3060 ss:$0x81] =	vst.msk $0xffff, v3;
	s27 =	sand.u32 $0x300, s26;
	s24 =	sadd.s32 s24, s25  }
0xf: {  	v60 =	vld [tilespmem:s22+$0x0];
	[tilespmem:s21+$0x0 ss:$0x81] =	vst.msk $0xffff, v0;
	s20 =	sadd.s32 s23, s20;
	s24 =	sor.u32 s27, s24  }
0x10: {  	v61 =	vld [tilespmem:s22+$0x10];
	s17 =	smul.u32 $0x2A0000, s17;
	[tilespmem:s20+$0x3870 ss:$0x81] =	vst.msk $0xffff, v1;
	s24 =	sshrl.u32 s24, $0x8  }
0x11: {  	v62 =	vld [tilespmem:s22+$0x20];
	s28 =	smulhi.u32 $0x124924A, s24;
	[tilespmem:s20+$0x810 ss:$0x81] =	vst.msk $0xffff, v5  }
0x12: {  	v63 =	vld [tilespmem:s22+$0xFFFFFFC0];
	s16 =	smul.u32 $0x1C00, s16;
	[tilespmem:s20+$0x1020 ss:$0x81] =	vst.msk $0xffff, v58  }
0x13: {  	s29 =	sand.u32 $0x78, s15;
	s18 =	sand.u32 $0x80, s26;
	[tilespmem:s20+$0x1830 ss:$0x81] =	vst.msk $0xffff, v59;
	s21 =	smul.u32 $0xE0, s28  }
0x14: {  	s30 =	sand.u32 $0x7, s15;
	s18 =	sor.u32 s29, s18;
	s17 =	sadd.s32 s6, s17;
	[tilespmem:s20+$0x2040 ss:$0x81] =	vst.msk $0xffff, v60  }
0x15: {  	s18 =	sshrl.u32 s18, $0x3;
	s16 =	sadd.s32 s16, s17;
	[tilespmem:s20+$0x2850 ss:$0x81] =	vst.msk $0xffff, v61;
	s21 =	ssub.s32 s24, s21  }
0x16: {  	s15 =	sshll.u32 s30, $0x12;
	s16 =	sadd.s32 s18, s16;
	[tilespmem:s20+$0x3060 ss:$0x81] =	vst.msk $0xffff, v62;
	s31 =	sshll.u32 s21, $0x5  }
0x17: {  	s15 =	sor.u32 $0x80, s15;
	[tilespmem:s20+$0x0 ss:$0x81] =	vst.msk $0xffff, v63;
	s16 =	sadd.s32 s31, s16  }
0x18: {  	[hbm4b:s16+s15] =	stream.strided.scatter [tilespmem:s19], [sflag:$0x2], $0x4000, s9, s15, $0x20;
	[tilespmem:$0x10100] =	vst v63  }
.LBB1_7:
0x19: {  	s19 =	sadd.s32 $0x80, s10  }
0x1a: {  	s15 =	sadd.s32 $0x80, s11;
	s20 =	smov.u32 s11;
	p2 =	sgt.s32 s19, $0x17F  }
0x1b: {  	s20 =	smov.u32 @p2 s15  }
0x1c: {  	s21 =	smov.u32 s12;
	s15 =	sadd.s32 $0x2, s12;
	p3 =	sgt.s32 s20, $0xDF  }
0x1d: {  	s21 =	smov.u32 @p3 s15  }
0x1e: {  	s22 =	smov.u32 s13;
	s15 =	sadd.s32 $0x10, s13;
	p4 =	sgt.s32 s21, $0xDF  }
0x1f: {  	p1 =	slt.u32 s14, $0x2;
	s22 =	smov.u32 @p4 s15  }
0x20: {  	s16 =	smov.u32 s10;
	s19 =	simm.s32 @p2 $0x0;
	p2 =	sgt.s32 s22, $0xF  }
0x21: {  	s23 =	simm.s32 @!p1 $0x2;
	s22 =	smov.u32 @p2 s3;
	p2 =	sne.s32 s14, s7  }
.Ltmp1:
0x22: {  	s18 =	smov.u32 s12;
	_ =	swait.ge @!p1 [sflag:s23], $0x4000;
	(pc) =	sbr.rel @!p2 .LBB1_8-.Ltmp1, $4  }
0x23: {  	s17 =	smov.u32 s13;
	p0 =	por !p0, !p0;
	[sflag:s23] =	ssyncset.done @!p1 $0x0  }
0x24: {  	s10 =	smov.u32 s19;
	s20 =	simm.s32 @p3 $0x0;
	[sflag:s23] =	ssyncadd.s32 @!p1 $0xFFFFC000  }
0x25: {  	s21 =	smov.u32 @p4 s2;
	s15 =	smov.u32 s11;
	s11 =	smov.u32 s20  }
0x26: {  	s12 =	smov.u32 s21;
	s14 =	sadd.s32 $0x1, s14;
	s13 =	smov.u32 s22  }
.LBB1_1:
0x27: {  	p1 =	sge.u32 s14, s5  }
.Ltmp2:
0x28: {  	_ = 	snop;
	(pc) =	sbr.rel @p1 .LBB1_3-.Ltmp2, $1  }
0x29: {  	_ =	sdelay $0x3  }
0x2a: {  	s19 =	sshrl.u32 s11, $0x3  }
0x2b: {  	s20 =	sshll.u32 s10, $0x3;
	s19 =	smul.u32 $0xC00, s19  }
0x2c: {  	s21 =	sshll.u32 s11, $0x7;
	s20 =	sand.u32 $0xFFFFFC00, s20  }
0x2d: {  	s29 =	sand.u32 $0x380, s21;
	s19 =	sadd.s32 s19, s20  }
0x2e: {  	s30 =	sand.u32 $0x7F, s10;
	s19 =	sor.u32 s29, s19  }
0x2f: {  	p1 =	sgt.s32 s13, $0xF;
	s22 =	smov.u32 s13;
	s20 =	sor.u32 s30, s19  }
0x30: {  	s23 =	sshra.s32 s13, $0x1F;
	s24 =	sxor.u32 $0xFFFFFFFF, s14;
	s21 =	smulhi.u32 $0xAAAAAAAB, s20  }
0x31: {  	s27 =	sshra.s32 s12, $0x1F;
	s25 =	sshra.s32 s11, $0x1F;
	s22 =	simm.s32 @!p1 $0xF  }
0x32: {  	s23 =	sand.u32 s23, s13;
	s31 =	sshll.u32 s24, $0xE;
	s21 =	sshrl.u32 s21, $0x8  }
0x33: {  	s24 =	sand.u32 s27, s12;
	s22 =	ssub.s32 s22, s23;
	s21 =	smul.u32 $0x180, s21  }
0x34: {  	s25 =	sand.u32 s25, s11;
	s27 =	smul.u32 $0x2A00, s12;
	s26 =	sadd.s32 $0xFFFFFFF1, s22  }
0x35: {  	p1 =	sgt.s32 s26, $0x0;
	s20 =	ssub.s32 s20, s21;
	s21 =	ssub.s32 $0x10, s22  }
0x36: {  	s22 =	smov.u32 s12;
	s21 =	simm.s32 @p1 $0x0;
	p1 =	sgt.s32 s12, $0xDF  }
0x37: {  	s19 =	smulhi.u32 $0xAAAAAAAB, s19;
	s30 =	sshra.s32 s10, $0x1F;
	s22 =	simm.s32 @!p1 $0xDF  }
0x38: {  	p1 =	sgt.s32 s11, $0x60;
	s22 =	ssub.s32 s22, s24;
	s24 =	smov.u32 s11  }
0x39: {  	s19 =	sshrl.u32 s19, $0x8;
	s26 =	sadd.s32 $0xFFFFFF21, s22;
	s24 =	simm.s32 @!p1 $0x60  }
0x3a: {  	s22 =	ssub.s32 $0xE0, s22;
	p1 =	sgt.s32 s26, $0x0;
	s24 =	ssub.s32 s24, s25  }
0x3b: {  	s28 =	smulhi.u32 $0x124924A, s19;
	s22 =	simm.s32 @p1 $0x0;
	s29 =	sadd.s32 $0xFFFFFFA0, s24  }
0x3c: {  	s21 =	smul.u32 s21, s22;
	p1 =	sgt.s32 s29, $0x7F;
	s22 =	ssub.s32 $0xE0, s24  }
0x3d: {  	s24 =	smov.u32 s10;
	s22 =	simm.s32 @p1 $0x0;
	p1 =	sgt.s32 s10, $0x100  }
0x3e: {  	s25 =	smul.u32 $0xE0, s28;
	s26 =	sand.u32 s30, s10;
	s24 =	simm.s32 @!p1 $0x100  }
0x3f: {  	s21 =	smul.u32 s22, s21;
	s22 =	sand.u32 $0x4000, s31;
	s31 =	ssub.s32 s24, s26  }
0x40: {  	s26 =	smul.u32 $0x24C000, s13;
	s24 =	sadd.s32 $0xFFFFFF00, s31  }
0x41: {  	s19 =	ssub.s32 s19, s25;
	s23 =	ssub.s32 $0x180, s31;
	p1 =	sgt.s32 s24, $0x7F  }
0x42: {  	s19 =	smul.u32 $0x30, s19;
	s25 =	sadd.s32 s1, s26;
	s23 =	simm.s32 @p1 $0x0  }
0x43: {  	s29 =	sand.u32 $0x7, s20;
	s28 =	sadd.s32 s27, s25;
	s21 =	smul.u32 s23, s21  }
0x44: {  	s20 =	sshrl.u32 s20, $0x3;
	s30 =	sshll.u32 s29, $0x12;
	s19 =	sadd.s32 s19, s28  }
0x45: {  	s31 =	sor.u32 $0x400, s30;
	s19 =	sadd.s32 s20, s19;
	s21 =	sand.u32 $0x3FFFFFFF, s21  }
0x46: {  	[tilespmem:s22], [sflag:$0x1] =	stream.strided.gather [hbm4b:s19+s31], s21, s8, s31, $0x38;
	[tilespmem:$0x10100] =	vst v63  }
.LBB1_3:
0x47: {  	s19 =	sadd.s32 $0xFFFFFFFF, s14  }
0x48: {  	p1 =	sge.u32 s19, s5  }
.Ltmp3:
0x49: {  	_ = 	snop;
	(pc) =	sbr.rel @p1 .LBB1_7-.Ltmp3, $1  }
0x4a: {  	_ =	sdelay $0x3  }
0x4b: {  	p1 =	sgt.s32 s17, $0xF;
	s19 =	smov.u32 s17;
	s20 =	sshra.s32 s17, $0x1F  }
0x4c: {  	s21 =	smov.u32 s18;
	s22 =	sshra.s32 s18, $0x1F;
	s25 =	sshra.s32 s15, $0x1F  }
0x4d: {  	s19 =	simm.s32 @!p1 $0xF;
	s20 =	sand.u32 s20, s17;
	p1 =	sgt.s32 s18, $0xDF  }
0x4e: {  	s23 =	sand.u32 s22, s18;
	s19 =	ssub.s32 s19, s20;
	s21 =	simm.s32 @!p1 $0xDF  }
0x4f: {  	s27 =	sshra.s32 s16, $0x1F;
	s24 =	sadd.s32 $0xFFFFFFF1, s19;
	s20 =	ssub.s32 s21, s23  }
0x50: {  	s19 =	ssub.s32 $0x10, s19;
	p1 =	sgt.s32 s24, $0x0;
	s21 =	sadd.s32 $0xFFFFFF21, s20  }
0x51: {  	s20 =	ssub.s32 $0xE0, s20;
	s19 =	simm.s32 @p1 $0x0;
	p1 =	sgt.s32 s21, $0x0  }
0x52: {  	s21 =	smov.u32 s15;
	s20 =	simm.s32 @p1 $0x0;
	p1 =	sgt.s32 s15, $0x60  }
0x53: {  	s26 =	sand.u32 s25, s15;
	s19 =	smul.u32 s19, s20;
	s21 =	simm.s32 @!p1 $0x60  }
0x54: {  	p1 =	sgt.s32 s16, $0x100;
	s20 =	ssub.s32 s21, s26;
	s21 =	smov.u32 s16  }
0x55: {  	s22 =	sand.u32 s27, s16;
	s23 =	sadd.s32 $0xFFFFFFA0, s20;
	s21 =	simm.s32 @!p1 $0x100  }
0x56: {  	s20 =	ssub.s32 $0xE0, s20;
	p1 =	sgt.s32 s23, $0x7F;
	s21 =	ssub.s32 s21, s22  }
0x57: {  	s20 =	simm.s32 @p1 $0x0;
	s22 =	sadd.s32 $0xFFFFFF00, s21  }
0x58: {  	s19 =	smul.u32 s20, s19;
	p1 =	sgt.s32 s22, $0x7F;
	s20 =	ssub.s32 $0x180, s21  }
0x59: {  	s20 =	simm.s32 @p1 $0x0  }
0x5a: {  	s19 =	smul.u32 s20, s19;
	_ =	sdelay $0x1  }
0x5b: {  	s20 =	simm.s32 $0x1;
	s19 =	sand.u32 $0x3FFFFFFF, s19  }
0x5c: {  	s20 =	simm.s32 @!p0 $0x0;
	_ =	swait.ge [sflag:s4], s19  }
0x5d: {  	s28 =	sshll.u32 s20, $0xE;
	s19 =	ssub.s32 $0x0, s19;
	[sflag:s4] =	ssyncset.done $0x0  }
0x5e: {  	s29 =	sor.u32 $0x40, s28;
	[sflag:s4] =	ssyncadd.s32 s19  }
0x5f: {  	s30 =	smul.u32 $0x10200, s20;
	v0 =	vld [tilespmem:s29+$0x30]  }
0x60: {  	v1 =	vld [tilespmem:s29+$0xFFFFFFD0]  }
0x61: {  	s19 =	sshrl.u32 s30, $0x2;
	v5 =	vld [tilespmem:s29+$0xFFFFFFE0]  }
0x62: {  	s20 =	sor.u32 $0x8000, s19;
	v6 =	vld [tilespmem:s29+$0xFFFFFFF0]  }
0x63: {  	s31 =	sand.u32 $0x1, s14;
	v4 =	vld [tilespmem:s29+$0x0];
	s21 =	sadd.s32 $0x0, s20  }
0x64: {  	s19 =	smul.u32 $0x10200, s31;
	v2 =	vld [tilespmem:s29+$0x10];
	[tilespmem:s21+$0x3870 ss:$0x81] =	vst.msk $0xffff, v0  }
0x65: {  	v3 =	vld [tilespmem:s29+$0x20];
	[tilespmem:s21+$0x810 ss:$0x81] =	vst.msk $0xffff, v1  }
0x66: {  	s22 =	sadd.s32 $0x80, s29;
	s19 =	sshrl.u32 s19, $0x2;
	v0 =	vld [tilespmem:s29+$0xFFFFFFC0];
	[tilespmem:s21+$0x1020 ss:$0x81] =	vst.msk $0xffff, v5  }
0x67: {  	s24 =	simm.s32 $0x8;
	s23 =	simm.s32 $0x4;
	s19 =	sor.u32 $0x8000, s19;
	v1 =	vld [tilespmem:s22+$0x30];
	[tilespmem:s21+$0x1830 ss:$0x81] =	vst.msk $0xffff, v6  }
.LBB1_5:
0x68: {  	p1 =	sne.s32 s24, $0x1FC;
	v5 =	vld [tilespmem:s22+$0xFFFFFFD0];
	[tilespmem:s21+$0x2040 ss:$0x81] =	vst.msk $0xffff, v4  }
0x69: {  	v6 =	vld [tilespmem:s22+$0xFFFFFFE0];
	[tilespmem:s21+$0x2850 ss:$0x81] =	vst.msk $0xffff, v2  }
0x6a: {  	s25 =	sshra.s32 s23, $0x2;
	s23 =	smov.u32 s24;
	v7 =	vld [tilespmem:s22+$0xFFFFFFF0];
	[tilespmem:s21+$0x3060 ss:$0x81] =	vst.msk $0xffff, v3  }
.Ltmp4:
0x6b: {  	v4 =	vld [tilespmem:s22+$0x0];
	[tilespmem:s21+$0x0 ss:$0x81] =	vst.msk $0xffff, v0;
	s21 =	sadd.s32 s25, s20;
	(pc) =	sbr.rel @p1 .LBB1_5-.Ltmp4, $4  }
0x6c: {  	v2 =	vld [tilespmem:s22+$0x10];
	[tilespmem:s21+$0x3870 ss:$0x81] =	vst.msk $0xffff, v1  }
0x6d: {  	[tilespmem:s21+$0x810 ss:$0x81] =	vst.msk $0xffff, v5;
	v3 =	vld [tilespmem:s22+$0x20]  }
0x6e: {  	v0 =	vld [tilespmem:s22+$0xFFFFFFC0];
	[tilespmem:s21+$0x1020 ss:$0x81] =	vst.msk $0xffff, v6;
	s22 =	sadd.s32 $0x80, s22  }
0x6f: {  	s24 =	sadd.s32 $0x4, s24;
	v1 =	vld [tilespmem:s22+$0x30];
	[tilespmem:s21+$0x1830 ss:$0x81] =	vst.msk $0xffff, v7  }
.Ltmp5:
0x70: {  	_ = 	snop;
	(pc) =	sbr.rel .LBB1_6-.Ltmp5, $1  }
0x71: {  	_ =	sdelay $0x3  }
.LBB1_8:
0x72: {  	_ =	sfence.sel $0x180000  }
0x73: {  	s1 =	simm.s32 $0x1;
	[bflag:$0x0] =	sbarrier.arrive $0xFFFF  }
0x74: {  	s31 =	simm.s32 $0x2;
	[sflag:s1] =	ssyncpa.u1 $0x1  }
0x75: {  	[sflag:s31] =	ssyncpa.u1 $0x1  }
0x76: {  	p0 =	sne.s32 s3, $0x0;
	_ =	strace $0x90000047  }
0x77: {  	s0 =	sadd.s32 @!p0 $0x100000, s0;
	[bflag:$0x2] =	sbarrier.arrive $0xFFFF  }
0x78: {  	[sflag:s0] =	ssyncadd.tile.s32 @!p0 $0x1;
	_ =	shalt  }
.Lfunc_end1:
_tile_overlayer_lowered:
.L_overlay_start_2:
0x79: {  	(tag) =	ssettag $0x2  }
0x7a: {  	s0 =	rddreg [dreg:$0x0];
	s2 =	stileid.u32  }
0x7b: {  	s1 =	rddreg [dreg:$0x1];
	p0 =	sne.s32 s2, $0x0  }
0x7c: {  	s3 =	rddreg [dreg:$0x2];
	[bflag:$0x3] =	sbarrier.arrive $0xFFFF;
	s2 =	simm.s32 @!p0 $0x1C01  }
0x7d: {  	[timem:s3], [sflag:s2] =	dma.local @!p0 [hbm:s0], s1  }
0x7e: {  	s0 =	simm.s32 @!p0 $0x1  }
0x7f: {  	_ =	swait.ge @!p0 [sflag:s0], s1  }
0x80: {  	s1 =	ssub.s32 @!p0 $0x0, s1;
	[sflag:s0] =	ssyncset.done @!p0 $0x0  }
0x81: {  	[sflag:s0] =	ssyncadd.s32 @!p0 s1  }
0x82: {  	[bflag:$0x3] =	sbarrier.arrive $0xFFFF  }
0x83: {  	_ =	shalt  }

</sc_bundles>
